<compile_context>
chip_gen: v7x
topology: tpu7x:2x2x1
jax: 0.10.2.dev20260603
libtpu: 0.0.44.dev20260713+nightly
codegen_flags: <defaults>
</compile_context>

<pallas_src>
import jax
import jax.numpy as jnp
from jax import lax
from jax.experimental import pallas as pl
from jax.experimental.pallas import tpu as pltpu
from jax.experimental.pallas import tpu_sc as plsc

L = 128
H = 512
BSZ = 16
N = 20
NPAD = 32
TOPK = 5


def _scores_kernel(q_ref, ka_ref, kb_ref, att_ref, pad_ref):
    g = pl.program_id(0)

    @pl.when(g == 0)
    def _():
        pad_ref[...] = jnp.full((BSZ, NPAD), -jnp.inf, dtype=jnp.float32)

    batch = jax.lax.broadcasted_iota(jnp.int32, (BSZ, 1), 0)
    slot = jax.lax.broadcasted_iota(jnp.int32, (BSZ, NPAD), 1)
    for half, k_ref in ((0, ka_ref), (1, kb_ref)):
        k3 = k_ref[0].reshape(BSZ, L, H)
        acc = jnp.full((BSZ, 1), -jnp.inf, dtype=jnp.float32)
        for b in range(BSZ):
            att = jax.lax.dot_general(
                k3[b], q_ref[:, b, :], (((1,), (1,)), ((), ())),
                preferred_element_type=jnp.float32)
            acc = jnp.where(batch == b, jnp.max(att), acc)
        pad_ref[...] = jnp.where(slot == 2 * g + half, acc, pad_ref[...])

    @pl.when(g == N // 2 - 1)
    def _():
        att_ref[...] = pad_ref[:, :N].reshape(BSZ, 1, N)


_SC_INFO = plsc.get_sparse_core_info()
_NC = _SC_INFO.num_cores


_GATHER_DNUMS = lax.GatherDimensionNumbers(
    offset_dims=(), collapsed_slice_dims=(0,), start_index_map=(0,))


def _shuffle(v, col0, sh):
    return lax.gather(v, (col0 ^ sh).reshape(16, 1), _GATHER_DNUMS, (1,),
                      mode=lax.GatherScatterMode.PROMISE_IN_BOUNDS)


def _allmax(v, col0):
    for sh in (1, 2, 4, 8):
        v = jnp.maximum(v, _shuffle(v, col0, sh))
    return v


def _allmin(v, col0):
    for sh in (1, 2, 4, 8):
        v = jnp.minimum(v, _shuffle(v, col0, sh))
    return v


def _topk_sc_kernel(s_hbm, out_hbm, row_v, outrow_v, sem):
    wid = lax.axis_index("s") * _NC + lax.axis_index("c")

    @pl.when(wid < BSZ)
    def _():
        pltpu.sync_copy(s_hbm.at[wid], row_v)
        col0 = lax.iota(jnp.int32, 16)
        col1 = col0 + 16
        row0 = row_v[pl.ds(0, 16)]
        row1 = row_v[pl.ds(16, 16)]
        outv = jnp.zeros((16,), jnp.int32)
        for k in range(TOPK):
            m = jnp.maximum(_allmax(row0, col0), _allmax(row1, col0))
            i0 = _allmin(jnp.where(row0 == m, col0, NPAD), col0)
            i1 = _allmin(jnp.where(row1 == m, col1, NPAD), col0)
            idx = jnp.minimum(i0, i1)
            outv = jnp.where(col0 == k, idx, outv)
            row0 = jnp.where(col0 == idx, -jnp.inf, row0)
            row1 = jnp.where(col1 == idx, -jnp.inf, row1)
        outrow_v[...] = outv
        pltpu.sync_copy(outrow_v, out_hbm.at[wid])


def kernel(query, keys, values):
    del values
    q3 = query.reshape(L, BSZ, H)

    scores = pl.pallas_call(
        _scores_kernel,
        grid=(N // 2,),
        in_specs=[
            pl.BlockSpec((L, BSZ, H), lambda g: (0, 0, 0)),
            pl.BlockSpec((1, BSZ, L * H), lambda g: (2 * g, 0, 0)),
            pl.BlockSpec((1, BSZ, L * H), lambda g: (2 * g + 1, 0, 0)),
        ],
        out_specs=[
            pl.BlockSpec((BSZ, 1, N), lambda g: (0, 0, 0)),
            pl.BlockSpec((BSZ, NPAD), lambda g: (0, 0)),
        ],
        out_shape=[
            jax.ShapeDtypeStruct((BSZ, 1, N), jnp.float32),
            jax.ShapeDtypeStruct((BSZ, NPAD), jnp.float32),
        ],
    )(q3, keys, keys)

    attention, scores = scores
    topk_rows = pl.kernel(
        _topk_sc_kernel,
        out_type=jax.ShapeDtypeStruct((BSZ, 16), jnp.int32),
        mesh=plsc.VectorSubcoreMesh(core_axis_name="c", subcore_axis_name="s"),
        scratch_types=[
            pltpu.VMEM((NPAD,), jnp.float32),
            pltpu.VMEM((16,), jnp.int32),
            pltpu.SemaphoreType.DMA,
        ],
    )(scores)

    return (attention, topk_rows[:, :TOPK].T)

# --- scband reference (transcript-rebuilt; emitter-appended) ---
"""Pipeline reference for scband-cache-57870389346832 (READ-ONLY COPY).

The authoritative reference and input builder live on the scoring server;
editing this copy changes nothing except your own understanding.
"""

import jax, jax.numpy as jnp
import numpy as np

L = 128      # num_steps
H = 512      # nhid
BSZ = 16     # batch_size // len(devices)
N = 20       # cache_N
TOPK = 5     # cache_k
DK = L * H   # no_summary -> dk = num_steps * nhid
NLAYERS = 1


def setup_inputs(seed: int = 0):
    key = jax.random.key(seed)
    k1, k2 = jax.random.split(key)
    # forward arg: query [query_len, L, bsz, nhid]; transpose(1,2) in forward gives [query_len, bsz, L, nhid]
    query = jax.random.normal(k1, (1, L, BSZ, H), dtype=jnp.float32)
    # registered buffers: key_i ~ Normal (init_keys), value_i zeros
    keys = jax.random.normal(k2, (N, BSZ, DK), dtype=jnp.float32)
    values = jnp.zeros((N, L, BSZ, (NLAYERS + 1) * H), dtype=jnp.float32)
    return {"query": query, "keys": keys, "values": values}


def reference(query, keys, values):
    # query.transpose(1, 2)
    q = jnp.transpose(query, (0, 2, 1, 3))  # [qlen, bsz, L, H]
    query_len, bsz = q.shape[0], q.shape[1]
    # no_summary path
    q = q.reshape(query_len, bsz, -1)  # [qlen, bsz, L*H]
    # keys.transpose_(0, 1)
    keys_t = jnp.transpose(keys, (1, 0, 2))  # [bsz, N, DK]
    # values einsum klbh->bklh (unused under max_pooling, kept for faithfulness)
    vals = jnp.einsum('klbh->bklh', values)
    # max_pooling path
    q2 = q.reshape(-1, L, H)                       # [bsz, L, H] (query_len == 1)
    pooling_keys = keys_t.reshape(-1, N, L, H)     # [bsz, N, L, H]
    attention = jnp.einsum('bih,bnjh->bijn', q2, pooling_keys)  # [bsz, L, L, N]
    attention = attention.reshape(-1, L * L, 1, N)
    attention = jnp.max(attention, axis=1)         # [bsz, 1, N]
    attention = attention.reshape(-1, 1, attention.shape[-1])
    _, topk_indices = jax.lax.top_k(attention, TOPK)  # [bsz, 1, k]
    topk_indices = jnp.squeeze(topk_indices, axis=1).T  # [k, bsz]
    return (attention, topk_indices)

if __name__ == "__main__":
    import jax
    _d = setup_inputs()
    print(jax.jit(kernel)(*tuple(_d.values())))

</pallas_src>

<mosaic_0001>
#map = affine_map<(d0, d1) -> (0, 0)>
module attributes {stable_mosaic.version = 14 : i64} {
  func.func @_topk_sc_kernel(%arg0: i32, %arg1: i32, %arg2: memref<16x32xf32, #tpu.memory_space<hbm>>, %arg3: memref<16x16xi32, #tpu.memory_space<hbm>>, %arg4: memref<32xf32, #tpu.memory_space<vmem>>, %arg5: memref<16xi32, #tpu.memory_space<vmem>>, %arg6: memref<!tpu.dma_semaphore, #tpu.memory_space<semaphore_mem>>) attributes {dimension_semantics = [#tpu.dimension_semantics<core_parallel>, #tpu.dimension_semantics<subcore_parallel>], iteration_bounds = array<i64: 2, 16>, scalar_prefetch = 0 : i64, scratch_operands = 3 : i64, tpu.core_type = #tpu.core_type<sc_vector_subcore>, window_params = [{transform_indices = #map}, {transform_indices = #map}]} {
    %mul3A = arith.constant 2 : i32
    %mul3A_0 = arith.muli %arg1, %mul3A : i32
    %add3A = arith.addi %mul3A_0, %arg0 : i32
    %lt3A = arith.constant 16 : i32
    %lt3A_1 = arith.cmpi slt, %add3A, %lt3A : i32
    %convert_element_type3A = arith.extui %lt3A_1 : i1 to i32
    %cond3A = arith.constant 0 : i32
    %cond3A_2 = arith.cmpi ne, %convert_element_type3A, %cond3A : i32
    scf.if %cond3A_2 {
      "tpu.region"() ({
        %run_scoped3A = tpu.sem_alloc : memref<!tpu.dma_semaphore, #tpu.memory_space<semaphore_mem>>
        %dma_start3A = arith.constant 0 : i32
        %dma_start3A_677 = tpu.memref_slice %arg2[%add3A, %dma_start3A] : memref<16x32xf32, #tpu.memory_space<hbm>> -> memref<1x32xf32, #tpu.memory_space<hbm>>
        %dma_start3A_678 = tpu.memref_squeeze %dma_start3A_677 : memref<1x32xf32, #tpu.memory_space<hbm>> -> memref<32xf32, #tpu.memory_space<hbm>>
        %dma_start3A_679 = arith.constant 0 : i32
        %dma_start3A_680 = tpu.memref_slice %arg2[%add3A, %dma_start3A_679] : memref<16x32xf32, #tpu.memory_space<hbm>> -> memref<1x32xf32, #tpu.memory_space<hbm>>
        %dma_start3A_681 = tpu.memref_squeeze %dma_start3A_680 : memref<1x32xf32, #tpu.memory_space<hbm>> -> memref<32xf32, #tpu.memory_space<hbm>>
        tpu.enqueue_dma source(%dma_start3A_681 : memref<32xf32, #tpu.memory_space<hbm>>) target(%arg4 : memref<32xf32, #tpu.memory_space<vmem>>) target_semaphore(%run_scoped3A : memref<!tpu.dma_semaphore, #tpu.memory_space<semaphore_mem>>)
        %dma_wait3A = arith.constant 0 : i32
        %dma_wait3A_682 = tpu.memref_slice %arg2[%add3A, %dma_wait3A] : memref<16x32xf32, #tpu.memory_space<hbm>> -> memref<1x32xf32, #tpu.memory_space<hbm>>
        %dma_wait3A_683 = tpu.memref_squeeze %dma_wait3A_682 : memref<1x32xf32, #tpu.memory_space<hbm>> -> memref<32xf32, #tpu.memory_space<hbm>>
        %dma_wait3A_684 = arith.constant 0 : i32
        %dma_wait3A_685 = tpu.memref_slice %arg2[%add3A, %dma_wait3A_684] : memref<16x32xf32, #tpu.memory_space<hbm>> -> memref<1x32xf32, #tpu.memory_space<hbm>>
        %dma_wait3A_686 = tpu.memref_squeeze %dma_wait3A_685 : memref<1x32xf32, #tpu.memory_space<hbm>> -> memref<32xf32, #tpu.memory_space<hbm>>
        tpu.wait_dma2 semaphore(%run_scoped3A : memref<!tpu.dma_semaphore, #tpu.memory_space<semaphore_mem>>) src(%dma_wait3A_686 : memref<32xf32, #tpu.memory_space<hbm>>) dst(%arg4 : memref<32xf32, #tpu.memory_space<vmem>>)
        tpu.yield
      }) : () -> ()
      %iota3A = tpu.iota {dimensions = array<i32: 0>} : vector<16xi32>
      %add3A_3 = arith.constant 16 : i32
      %add3A_4 = vector.broadcast %add3A_3 : i32 to vector<16xi32>
      %add3A_5 = arith.addi %iota3A, %add3A_4 : vector<16xi32>
      %get3A = arith.constant 0 : index
      %get3A_6 = tpu.vector_load %arg4[%get3A] {strides = array<i32>} : memref<32xf32, #tpu.memory_space<vmem>>, vector<16xf32>,
      %get3A_7 = vector.shape_cast %get3A_6 : vector<16xf32> to vector<16xf32>
      %get3A_8 = arith.constant 16 : index
      %get3A_9 = tpu.vector_load %arg4[%get3A_8] {strides = array<i32>} : memref<32xf32, #tpu.memory_space<vmem>>, vector<16xf32>,
      %get3A_10 = vector.shape_cast %get3A_9 : vector<16xf32> to vector<16xf32>
      %broadcast_in_dim3A = arith.constant 0 : i32
      %broadcast_in_dim3A_11 = vector.broadcast %broadcast_in_dim3A : i32 to vector<16xi32>
      %xor3A = arith.constant 1 : i32
      %xor3A_12 = vector.broadcast %xor3A : i32 to vector<16xi32>
      %xor3A_13 = arith.xori %iota3A, %xor3A_12 : vector<16xi32>
      %reshape3A = vector.shape_cast %xor3A_13 : vector<16xi32> to vector<16x1xi32>
      %gather3A = vector.shape_cast %reshape3A : vector<16x1xi32> to vector<16xi32>
      %gather3A_14 = tpu.dynamic_gather %get3A_7[%gather3A] in [0] : vector<16xf32>, vector<16xi32> -> vector<16xf32>
      %max3A = arith.maximumf %get3A_7, %gather3A_14 : vector<16xf32>
      %xor3A_15 = arith.constant 2 : i32
      %xor3A_16 = vector.broadcast %xor3A_15 : i32 to vector<16xi32>
      %xor3A_17 = arith.xori %iota3A, %xor3A_16 : vector<16xi32>
      %reshape3A_18 = vector.shape_cast %xor3A_17 : vector<16xi32> to vector<16x1xi32>
      %gather3A_19 = vector.shape_cast %reshape3A_18 : vector<16x1xi32> to vector<16xi32>
      %gather3A_20 = tpu.dynamic_gather %max3A[%gather3A_19] in [0] : vector<16xf32>, vector<16xi32> -> vector<16xf32>
      %max3A_21 = arith.maximumf %max3A, %gather3A_20 : vector<16xf32>
      %xor3A_22 = arith.constant 4 : i32
      %xor3A_23 = vector.broadcast %xor3A_22 : i32 to vector<16xi32>
      %xor3A_24 = arith.xori %iota3A, %xor3A_23 : vector<16xi32>
      %reshape3A_25 = vector.shape_cast %xor3A_24 : vector<16xi32> to vector<16x1xi32>
      %gather3A_26 = vector.shape_cast %reshape3A_25 : vector<16x1xi32> to vector<16xi32>
      %gather3A_27 = tpu.dynamic_gather %max3A_21[%gather3A_26] in [0] : vector<16xf32>, vector<16xi32> -> vector<16xf32>
      %max3A_28 = arith.maximumf %max3A_21, %gather3A_27 : vector<16xf32>
      %xor3A_29 = arith.constant 8 : i32
      %xor3A_30 = vector.broadcast %xor3A_29 : i32 to vector<16xi32>
      %xor3A_31 = arith.xori %iota3A, %xor3A_30 : vector<16xi32>
      %reshape3A_32 = vector.shape_cast %xor3A_31 : vector<16xi32> to vector<16x1xi32>
      %gather3A_33 = vector.shape_cast %reshape3A_32 : vector<16x1xi32> to vector<16xi32>
      %gather3A_34 = tpu.dynamic_gather %max3A_28[%gather3A_33] in [0] : vector<16xf32>, vector<16xi32> -> vector<16xf32>
      %max3A_35 = arith.maximumf %max3A_28, %gather3A_34 : vector<16xf32>
      %xor3A_36 = arith.constant 1 : i32
      %xor3A_37 = vector.broadcast %xor3A_36 : i32 to vector<16xi32>
      %xor3A_38 = arith.xori %iota3A, %xor3A_37 : vector<16xi32>
      %reshape3A_39 = vector.shape_cast %xor3A_38 : vector<16xi32> to vector<16x1xi32>
      %gather3A_40 = vector.shape_cast %reshape3A_39 : vector<16x1xi32> to vector<16xi32>
      %gather3A_41 = tpu.dynamic_gather %get3A_10[%gather3A_40] in [0] : vector<16xf32>, vector<16xi32> -> vector<16xf32>
      %max3A_42 = arith.maximumf %get3A_10, %gather3A_41 : vector<16xf32>
      %xor3A_43 = arith.constant 2 : i32
      %xor3A_44 = vector.broadcast %xor3A_43 : i32 to vector<16xi32>
      %xor3A_45 = arith.xori %iota3A, %xor3A_44 : vector<16xi32>
      %reshape3A_46 = vector.shape_cast %xor3A_45 : vector<16xi32> to vector<16x1xi32>
      %gather3A_47 = vector.shape_cast %reshape3A_46 : vector<16x1xi32> to vector<16xi32>
      %gather3A_48 = tpu.dynamic_gather %max3A_42[%gather3A_47] in [0] : vector<16xf32>, vector<16xi32> -> vector<16xf32>
      %max3A_49 = arith.maximumf %max3A_42, %gather3A_48 : vector<16xf32>
      %xor3A_50 = arith.constant 4 : i32
      %xor3A_51 = vector.broadcast %xor3A_50 : i32 to vector<16xi32>
      %xor3A_52 = arith.xori %iota3A, %xor3A_51 : vector<16xi32>
      %reshape3A_53 = vector.shape_cast %xor3A_52 : vector<16xi32> to vector<16x1xi32>
      %gather3A_54 = vector.shape_cast %reshape3A_53 : vector<16x1xi32> to vector<16xi32>
      %gather3A_55 = tpu.dynamic_gather %max3A_49[%gather3A_54] in [0] : vector<16xf32>, vector<16xi32> -> vector<16xf32>
      %max3A_56 = arith.maximumf %max3A_49, %gather3A_55 : vector<16xf32>
      %xor3A_57 = arith.constant 8 : i32
      %xor3A_58 = vector.broadcast %xor3A_57 : i32 to vector<16xi32>
      %xor3A_59 = arith.xori %iota3A, %xor3A_58 : vector<16xi32>
      %reshape3A_60 = vector.shape_cast %xor3A_59 : vector<16xi32> to vector<16x1xi32>
      %gather3A_61 = vector.shape_cast %reshape3A_60 : vector<16x1xi32> to vector<16xi32>
      %gather3A_62 = tpu.dynamic_gather %max3A_56[%gather3A_61] in [0] : vector<16xf32>, vector<16xi32> -> vector<16xf32>
      %max3A_63 = arith.maximumf %max3A_56, %gather3A_62 : vector<16xf32>
      %max3A_64 = arith.maximumf %max3A_35, %max3A_63 : vector<16xf32>
      %eq3A = arith.cmpf oeq, %get3A_7, %max3A_64 : vector<16xf32>
      %jit3A = arith.constant 32 : i32
      %broadcast_in_dim3A_65 = vector.broadcast %jit3A : i32 to vector<16xi32>
      %select_n3A = arith.select %eq3A, %iota3A, %broadcast_in_dim3A_65 : vector<16xi1>, vector<16xi32>
      %xor3A_66 = arith.constant 1 : i32
      %xor3A_67 = vector.broadcast %xor3A_66 : i32 to vector<16xi32>
      %xor3A_68 = arith.xori %iota3A, %xor3A_67 : vector<16xi32>
      %reshape3A_69 = vector.shape_cast %xor3A_68 : vector<16xi32> to vector<16x1xi32>
      %gather3A_70 = vector.shape_cast %reshape3A_69 : vector<16x1xi32> to vector<16xi32>
      %gather3A_71 = tpu.dynamic_gather %select_n3A[%gather3A_70] in [0] : vector<16xi32>, vector<16xi32> -> vector<16xi32>
      %min3A = arith.minsi %select_n3A, %gather3A_71 : vector<16xi32>
      %xor3A_72 = arith.constant 2 : i32
      %xor3A_73 = vector.broadcast %xor3A_72 : i32 to vector<16xi32>
      %xor3A_74 = arith.xori %iota3A, %xor3A_73 : vector<16xi32>
      %reshape3A_75 = vector.shape_cast %xor3A_74 : vector<16xi32> to vector<16x1xi32>
      %gather3A_76 = vector.shape_cast %reshape3A_75 : vector<16x1xi32> to vector<16xi32>
      %gather3A_77 = tpu.dynamic_gather %min3A[%gather3A_76] in [0] : vector<16xi32>, vector<16xi32> -> vector<16xi32>
      %min3A_78 = arith.minsi %min3A, %gather3A_77 : vector<16xi32>
      %xor3A_79 = arith.constant 4 : i32
      %xor3A_80 = vector.broadcast %xor3A_79 : i32 to vector<16xi32>
      %xor3A_81 = arith.xori %iota3A, %xor3A_80 : vector<16xi32>
      %reshape3A_82 = vector.shape_cast %xor3A_81 : vector<16xi32> to vector<16x1xi32>
      %gather3A_83 = vector.shape_cast %reshape3A_82 : vector<16x1xi32> to vector<16xi32>
      %gather3A_84 = tpu.dynamic_gather %min3A_78[%gather3A_83] in [0] : vector<16xi32>, vector<16xi32> -> vector<16xi32>
      %min3A_85 = arith.minsi %min3A_78, %gather3A_84 : vector<16xi32>
      %xor3A_86 = arith.constant 8 : i32
      %xor3A_87 = vector.broadcast %xor3A_86 : i32 to vector<16xi32>
      %xor3A_88 = arith.xori %iota3A, %xor3A_87 : vector<16xi32>
      %reshape3A_89 = vector.shape_cast %xor3A_88 : vector<16xi32> to vector<16x1xi32>
      %gather3A_90 = vector.shape_cast %reshape3A_89 : vector<16x1xi32> to vector<16xi32>
      %gather3A_91 = tpu.dynamic_gather %min3A_85[%gather3A_90] in [0] : vector<16xi32>, vector<16xi32> -> vector<16xi32>
      %min3A_92 = arith.minsi %min3A_85, %gather3A_91 : vector<16xi32>
      %eq3A_93 = arith.cmpf oeq, %get3A_10, %max3A_64 : vector<16xf32>
      %jit3A_94 = arith.constant 32 : i32
      %broadcast_in_dim3A_95 = vector.broadcast %jit3A_94 : i32 to vector<16xi32>
      %select_n3A_96 = arith.select %eq3A_93, %add3A_5, %broadcast_in_dim3A_95 : vector<16xi1>, vector<16xi32>
      %xor3A_97 = arith.constant 1 : i32
      %xor3A_98 = vector.broadcast %xor3A_97 : i32 to vector<16xi32>
      %xor3A_99 = arith.xori %iota3A, %xor3A_98 : vector<16xi32>
      %reshape3A_100 = vector.shape_cast %xor3A_99 : vector<16xi32> to vector<16x1xi32>
      %gather3A_101 = vector.shape_cast %reshape3A_100 : vector<16x1xi32> to vector<16xi32>
      %gather3A_102 = tpu.dynamic_gather %select_n3A_96[%gather3A_101] in [0] : vector<16xi32>, vector<16xi32> -> vector<16xi32>
      %min3A_103 = arith.minsi %select_n3A_96, %gather3A_102 : vector<16xi32>
      %xor3A_104 = arith.constant 2 : i32
      %xor3A_105 = vector.broadcast %xor3A_104 : i32 to vector<16xi32>
      %xor3A_106 = arith.xori %iota3A, %xor3A_105 : vector<16xi32>
      %reshape3A_107 = vector.shape_cast %xor3A_106 : vector<16xi32> to vector<16x1xi32>
      %gather3A_108 = vector.shape_cast %reshape3A_107 : vector<16x1xi32> to vector<16xi32>
      %gather3A_109 = tpu.dynamic_gather %min3A_103[%gather3A_108] in [0] : vector<16xi32>, vector<16xi32> -> vector<16xi32>
      %min3A_110 = arith.minsi %min3A_103, %gather3A_109 : vector<16xi32>
      %xor3A_111 = arith.constant 4 : i32
      %xor3A_112 = vector.broadcast %xor3A_111 : i32 to vector<16xi32>
      %xor3A_113 = arith.xori %iota3A, %xor3A_112 : vector<16xi32>
      %reshape3A_114 = vector.shape_cast %xor3A_113 : vector<16xi32> to vector<16x1xi32>
      %gather3A_115 = vector.shape_cast %reshape3A_114 : vector<16x1xi32> to vector<16xi32>
      %gather3A_116 = tpu.dynamic_gather %min3A_110[%gather3A_115] in [0] : vector<16xi32>, vector<16xi32> -> vector<16xi32>
      %min3A_117 = arith.minsi %min3A_110, %gather3A_116 : vector<16xi32>
      %xor3A_118 = arith.constant 8 : i32
      %xor3A_119 = vector.broadcast %xor3A_118 : i32 to vector<16xi32>
      %xor3A_120 = arith.xori %iota3A, %xor3A_119 : vector<16xi32>
      %reshape3A_121 = vector.shape_cast %xor3A_120 : vector<16xi32> to vector<16x1xi32>
      %gather3A_122 = vector.shape_cast %reshape3A_121 : vector<16x1xi32> to vector<16xi32>
      %gather3A_123 = tpu.dynamic_gather %min3A_117[%gather3A_122] in [0] : vector<16xi32>, vector<16xi32> -> vector<16xi32>
      %min3A_124 = arith.minsi %min3A_117, %gather3A_123 : vector<16xi32>
      %min3A_125 = arith.minsi %min3A_92, %min3A_124 : vector<16xi32>
      %eq3A_126 = arith.constant 0 : i32
      %eq3A_127 = vector.broadcast %eq3A_126 : i32 to vector<16xi32>
      %eq3A_128 = arith.cmpi eq, %iota3A, %eq3A_127 : vector<16xi32>
      %select_n3A_129 = arith.select %eq3A_128, %min3A_125, %broadcast_in_dim3A_11 : vector<16xi1>, vector<16xi32>
      %eq3A_130 = arith.cmpi eq, %iota3A, %min3A_125 : vector<16xi32>
      %jit3A_131 = arith.constant 0xFF800000 : f32
      %broadcast_in_dim3A_132 = vector.broadcast %jit3A_131 : f32 to vector<16xf32>
      %select_n3A_133 = arith.select %eq3A_130, %broadcast_in_dim3A_132, %get3A_7 : vector<16xi1>, vector<16xf32>
      %eq3A_134 = arith.cmpi eq, %add3A_5, %min3A_125 : vector<16xi32>
      %jit3A_135 = arith.constant 0xFF800000 : f32
      %broadcast_in_dim3A_136 = vector.broadcast %jit3A_135 : f32 to vector<16xf32>
      %select_n3A_137 = arith.select %eq3A_134, %broadcast_in_dim3A_136, %get3A_10 : vector<16xi1>, vector<16xf32>
      %xor3A_138 = arith.constant 1 : i32
      %xor3A_139 = vector.broadcast %xor3A_138 : i32 to vector<16xi32>
      %xor3A_140 = arith.xori %iota3A, %xor3A_139 : vector<16xi32>
      %reshape3A_141 = vector.shape_cast %xor3A_140 : vector<16xi32> to vector<16x1xi32>
      %gather3A_142 = vector.shape_cast %reshape3A_141 : vector<16x1xi32> to vector<16xi32>
      %gather3A_143 = tpu.dynamic_gather %select_n3A_133[%gather3A_142] in [0] : vector<16xf32>, vector<16xi32> -> vector<16xf32>
      %max3A_144 = arith.maximumf %select_n3A_133, %gather3A_143 : vector<16xf32>
      %xor3A_145 = arith.constant 2 : i32
      %xor3A_146 = vector.broadcast %xor3A_145 : i32 to vector<16xi32>
      %xor3A_147 = arith.xori %iota3A, %xor3A_146 : vector<16xi32>
      %reshape3A_148 = vector.shape_cast %xor3A_147 : vector<16xi32> to vector<16x1xi32>
      %gather3A_149 = vector.shape_cast %reshape3A_148 : vector<16x1xi32> to vector<16xi32>
      %gather3A_150 = tpu.dynamic_gather %max3A_144[%gather3A_149] in [0] : vector<16xf32>, vector<16xi32> -> vector<16xf32>
      %max3A_151 = arith.maximumf %max3A_144, %gather3A_150 : vector<16xf32>
      %xor3A_152 = arith.constant 4 : i32
      %xor3A_153 = vector.broadcast %xor3A_152 : i32 to vector<16xi32>
      %xor3A_154 = arith.xori %iota3A, %xor3A_153 : vector<16xi32>
      %reshape3A_155 = vector.shape_cast %xor3A_154 : vector<16xi32> to vector<16x1xi32>
      %gather3A_156 = vector.shape_cast %reshape3A_155 : vector<16x1xi32> to vector<16xi32>
      %gather3A_157 = tpu.dynamic_gather %max3A_151[%gather3A_156] in [0] : vector<16xf32>, vector<16xi32> -> vector<16xf32>
      %max3A_158 = arith.maximumf %max3A_151, %gather3A_157 : vector<16xf32>
      %xor3A_159 = arith.constant 8 : i32
      %xor3A_160 = vector.broadcast %xor3A_159 : i32 to vector<16xi32>
      %xor3A_161 = arith.xori %iota3A, %xor3A_160 : vector<16xi32>
      %reshape3A_162 = vector.shape_cast %xor3A_161 : vector<16xi32> to vector<16x1xi32>
      %gather3A_163 = vector.shape_cast %reshape3A_162 : vector<16x1xi32> to vector<16xi32>
      %gather3A_164 = tpu.dynamic_gather %max3A_158[%gather3A_163] in [0] : vector<16xf32>, vector<16xi32> -> vector<16xf32>
      %max3A_165 = arith.maximumf %max3A_158, %gather3A_164 : vector<16xf32>
      %xor3A_166 = arith.constant 1 : i32
      %xor3A_167 = vector.broadcast %xor3A_166 : i32 to vector<16xi32>
      %xor3A_168 = arith.xori %iota3A, %xor3A_167 : vector<16xi32>
      %reshape3A_169 = vector.shape_cast %xor3A_168 : vector<16xi32> to vector<16x1xi32>
      %gather3A_170 = vector.shape_cast %reshape3A_169 : vector<16x1xi32> to vector<16xi32>
      %gather3A_171 = tpu.dynamic_gather %select_n3A_137[%gather3A_170] in [0] : vector<16xf32>, vector<16xi32> -> vector<16xf32>
      %max3A_172 = arith.maximumf %select_n3A_137, %gather3A_171 : vector<16xf32>
      %xor3A_173 = arith.constant 2 : i32
      %xor3A_174 = vector.broadcast %xor3A_173 : i32 to vector<16xi32>
      %xor3A_175 = arith.xori %iota3A, %xor3A_174 : vector<16xi32>
      %reshape3A_176 = vector.shape_cast %xor3A_175 : vector<16xi32> to vector<16x1xi32>
      %gather3A_177 = vector.shape_cast %reshape3A_176 : vector<16x1xi32> to vector<16xi32>
      %gather3A_178 = tpu.dynamic_gather %max3A_172[%gather3A_177] in [0] : vector<16xf32>, vector<16xi32> -> vector<16xf32>
      %max3A_179 = arith.maximumf %max3A_172, %gather3A_178 : vector<16xf32>
      %xor3A_180 = arith.constant 4 : i32
      %xor3A_181 = vector.broadcast %xor3A_180 : i32 to vector<16xi32>
      %xor3A_182 = arith.xori %iota3A, %xor3A_181 : vector<16xi32>
      %reshape3A_183 = vector.shape_cast %xor3A_182 : vector<16xi32> to vector<16x1xi32>
      %gather3A_184 = vector.shape_cast %reshape3A_183 : vector<16x1xi32> to vector<16xi32>
      %gather3A_185 = tpu.dynamic_gather %max3A_179[%gather3A_184] in [0] : vector<16xf32>, vector<16xi32> -> vector<16xf32>
      %max3A_186 = arith.maximumf %max3A_179, %gather3A_185 : vector<16xf32>
      %xor3A_187 = arith.constant 8 : i32
      %xor3A_188 = vector.broadcast %xor3A_187 : i32 to vector<16xi32>
      %xor3A_189 = arith.xori %iota3A, %xor3A_188 : vector<16xi32>
      %reshape3A_190 = vector.shape_cast %xor3A_189 : vector<16xi32> to vector<16x1xi32>
      %gather3A_191 = vector.shape_cast %reshape3A_190 : vector<16x1xi32> to vector<16xi32>
      %gather3A_192 = tpu.dynamic_gather %max3A_186[%gather3A_191] in [0] : vector<16xf32>, vector<16xi32> -> vector<16xf32>
      %max3A_193 = arith.maximumf %max3A_186, %gather3A_192 : vector<16xf32>
      %max3A_194 = arith.maximumf %max3A_165, %max3A_193 : vector<16xf32>
      %eq3A_195 = arith.cmpf oeq, %select_n3A_133, %max3A_194 : vector<16xf32>
      %jit3A_196 = arith.constant 32 : i32
      %broadcast_in_dim3A_197 = vector.broadcast %jit3A_196 : i32 to vector<16xi32>
      %select_n3A_198 = arith.select %eq3A_195, %iota3A, %broadcast_in_dim3A_197 : vector<16xi1>, vector<16xi32>
      %xor3A_199 = arith.constant 1 : i32
      %xor3A_200 = vector.broadcast %xor3A_199 : i32 to vector<16xi32>
      %xor3A_201 = arith.xori %iota3A, %xor3A_200 : vector<16xi32>
      %reshape3A_202 = vector.shape_cast %xor3A_201 : vector<16xi32> to vector<16x1xi32>
      %gather3A_203 = vector.shape_cast %reshape3A_202 : vector<16x1xi32> to vector<16xi32>
      %gather3A_204 = tpu.dynamic_gather %select_n3A_198[%gather3A_203] in [0] : vector<16xi32>, vector<16xi32> -> vector<16xi32>
      %min3A_205 = arith.minsi %select_n3A_198, %gather3A_204 : vector<16xi32>
      %xor3A_206 = arith.constant 2 : i32
      %xor3A_207 = vector.broadcast %xor3A_206 : i32 to vector<16xi32>
      %xor3A_208 = arith.xori %iota3A, %xor3A_207 : vector<16xi32>
      %reshape3A_209 = vector.shape_cast %xor3A_208 : vector<16xi32> to vector<16x1xi32>
      %gather3A_210 = vector.shape_cast %reshape3A_209 : vector<16x1xi32> to vector<16xi32>
      %gather3A_211 = tpu.dynamic_gather %min3A_205[%gather3A_210] in [0] : vector<16xi32>, vector<16xi32> -> vector<16xi32>
      %min3A_212 = arith.minsi %min3A_205, %gather3A_211 : vector<16xi32>
      %xor3A_213 = arith.constant 4 : i32
      %xor3A_214 = vector.broadcast %xor3A_213 : i32 to vector<16xi32>
      %xor3A_215 = arith.xori %iota3A, %xor3A_214 : vector<16xi32>
      %reshape3A_216 = vector.shape_cast %xor3A_215 : vector<16xi32> to vector<16x1xi32>
      %gather3A_217 = vector.shape_cast %reshape3A_216 : vector<16x1xi32> to vector<16xi32>
      %gather3A_218 = tpu.dynamic_gather %min3A_212[%gather3A_217] in [0] : vector<16xi32>, vector<16xi32> -> vector<16xi32>
      %min3A_219 = arith.minsi %min3A_212, %gather3A_218 : vector<16xi32>
      %xor3A_220 = arith.constant 8 : i32
      %xor3A_221 = vector.broadcast %xor3A_220 : i32 to vector<16xi32>
      %xor3A_222 = arith.xori %iota3A, %xor3A_221 : vector<16xi32>
      %reshape3A_223 = vector.shape_cast %xor3A_222 : vector<16xi32> to vector<16x1xi32>
      %gather3A_224 = vector.shape_cast %reshape3A_223 : vector<16x1xi32> to vector<16xi32>
      %gather3A_225 = tpu.dynamic_gather %min3A_219[%gather3A_224] in [0] : vector<16xi32>, vector<16xi32> -> vector<16xi32>
      %min3A_226 = arith.minsi %min3A_219, %gather3A_225 : vector<16xi32>
      %eq3A_227 = arith.cmpf oeq, %select_n3A_137, %max3A_194 : vector<16xf32>
      %jit3A_228 = arith.constant 32 : i32
      %broadcast_in_dim3A_229 = vector.broadcast %jit3A_228 : i32 to vector<16xi32>
      %select_n3A_230 = arith.select %eq3A_227, %add3A_5, %broadcast_in_dim3A_229 : vector<16xi1>, vector<16xi32>
      %xor3A_231 = arith.constant 1 : i32
      %xor3A_232 = vector.broadcast %xor3A_231 : i32 to vector<16xi32>
      %xor3A_233 = arith.xori %iota3A, %xor3A_232 : vector<16xi32>
      %reshape3A_234 = vector.shape_cast %xor3A_233 : vector<16xi32> to vector<16x1xi32>
      %gather3A_235 = vector.shape_cast %reshape3A_234 : vector<16x1xi32> to vector<16xi32>
      %gather3A_236 = tpu.dynamic_gather %select_n3A_230[%gather3A_235] in [0] : vector<16xi32>, vector<16xi32> -> vector<16xi32>
      %min3A_237 = arith.minsi %select_n3A_230, %gather3A_236 : vector<16xi32>
      %xor3A_238 = arith.constant 2 : i32
      %xor3A_239 = vector.broadcast %xor3A_238 : i32 to vector<16xi32>
      %xor3A_240 = arith.xori %iota3A, %xor3A_239 : vector<16xi32>
      %reshape3A_241 = vector.shape_cast %xor3A_240 : vector<16xi32> to vector<16x1xi32>
      %gather3A_242 = vector.shape_cast %reshape3A_241 : vector<16x1xi32> to vector<16xi32>
      %gather3A_243 = tpu.dynamic_gather %min3A_237[%gather3A_242] in [0] : vector<16xi32>, vector<16xi32> -> vector<16xi32>
      %min3A_244 = arith.minsi %min3A_237, %gather3A_243 : vector<16xi32>
      %xor3A_245 = arith.constant 4 : i32
      %xor3A_246 = vector.broadcast %xor3A_245 : i32 to vector<16xi32>
      %xor3A_247 = arith.xori %iota3A, %xor3A_246 : vector<16xi32>
      %reshape3A_248 = vector.shape_cast %xor3A_247 : vector<16xi32> to vector<16x1xi32>
      %gather3A_249 = vector.shape_cast %reshape3A_248 : vector<16x1xi32> to vector<16xi32>
      %gather3A_250 = tpu.dynamic_gather %min3A_244[%gather3A_249] in [0] : vector<16xi32>, vector<16xi32> -> vector<16xi32>
      %min3A_251 = arith.minsi %min3A_244, %gather3A_250 : vector<16xi32>
      %xor3A_252 = arith.constant 8 : i32
      %xor3A_253 = vector.broadcast %xor3A_252 : i32 to vector<16xi32>
      %xor3A_254 = arith.xori %iota3A, %xor3A_253 : vector<16xi32>
      %reshape3A_255 = vector.shape_cast %xor3A_254 : vector<16xi32> to vector<16x1xi32>
      %gather3A_256 = vector.shape_cast %reshape3A_255 : vector<16x1xi32> to vector<16xi32>
      %gather3A_257 = tpu.dynamic_gather %min3A_251[%gather3A_256] in [0] : vector<16xi32>, vector<16xi32> -> vector<16xi32>
      %min3A_258 = arith.minsi %min3A_251, %gather3A_257 : vector<16xi32>
      %min3A_259 = arith.minsi %min3A_226, %min3A_258 : vector<16xi32>
      %eq3A_260 = arith.constant 1 : i32
      %eq3A_261 = vector.broadcast %eq3A_260 : i32 to vector<16xi32>
      %eq3A_262 = arith.cmpi eq, %iota3A, %eq3A_261 : vector<16xi32>
      %select_n3A_263 = arith.select %eq3A_262, %min3A_259, %select_n3A_129 : vector<16xi1>, vector<16xi32>
      %eq3A_264 = arith.cmpi eq, %iota3A, %min3A_259 : vector<16xi32>
      %jit3A_265 = arith.constant 0xFF800000 : f32
      %broadcast_in_dim3A_266 = vector.broadcast %jit3A_265 : f32 to vector<16xf32>
      %select_n3A_267 = arith.select %eq3A_264, %broadcast_in_dim3A_266, %select_n3A_133 : vector<16xi1>, vector<16xf32>
      %eq3A_268 = arith.cmpi eq, %add3A_5, %min3A_259 : vector<16xi32>
      %jit3A_269 = arith.constant 0xFF800000 : f32
      %broadcast_in_dim3A_270 = vector.broadcast %jit3A_269 : f32 to vector<16xf32>
      %select_n3A_271 = arith.select %eq3A_268, %broadcast_in_dim3A_270, %select_n3A_137 : vector<16xi1>, vector<16xf32>
      %xor3A_272 = arith.constant 1 : i32
      %xor3A_273 = vector.broadcast %xor3A_272 : i32 to vector<16xi32>
      %xor3A_274 = arith.xori %iota3A, %xor3A_273 : vector<16xi32>
      %reshape3A_275 = vector.shape_cast %xor3A_274 : vector<16xi32> to vector<16x1xi32>
      %gather3A_276 = vector.shape_cast %reshape3A_275 : vector<16x1xi32> to vector<16xi32>
      %gather3A_277 = tpu.dynamic_gather %select_n3A_267[%gather3A_276] in [0] : vector<16xf32>, vector<16xi32> -> vector<16xf32>
      %max3A_278 = arith.maximumf %select_n3A_267, %gather3A_277 : vector<16xf32>
      %xor3A_279 = arith.constant 2 : i32
      %xor3A_280 = vector.broadcast %xor3A_279 : i32 to vector<16xi32>
      %xor3A_281 = arith.xori %iota3A, %xor3A_280 : vector<16xi32>
      %reshape3A_282 = vector.shape_cast %xor3A_281 : vector<16xi32> to vector<16x1xi32>
      %gather3A_283 = vector.shape_cast %reshape3A_282 : vector<16x1xi32> to vector<16xi32>
      %gather3A_284 = tpu.dynamic_gather %max3A_278[%gather3A_283] in [0] : vector<16xf32>, vector<16xi32> -> vector<16xf32>
      %max3A_285 = arith.maximumf %max3A_278, %gather3A_284 : vector<16xf32>
      %xor3A_286 = arith.constant 4 : i32
      %xor3A_287 = vector.broadcast %xor3A_286 : i32 to vector<16xi32>
      %xor3A_288 = arith.xori %iota3A, %xor3A_287 : vector<16xi32>
      %reshape3A_289 = vector.shape_cast %xor3A_288 : vector<16xi32> to vector<16x1xi32>
      %gather3A_290 = vector.shape_cast %reshape3A_289 : vector<16x1xi32> to vector<16xi32>
      %gather3A_291 = tpu.dynamic_gather %max3A_285[%gather3A_290] in [0] : vector<16xf32>, vector<16xi32> -> vector<16xf32>
      %max3A_292 = arith.maximumf %max3A_285, %gather3A_291 : vector<16xf32>
      %xor3A_293 = arith.constant 8 : i32
      %xor3A_294 = vector.broadcast %xor3A_293 : i32 to vector<16xi32>
      %xor3A_295 = arith.xori %iota3A, %xor3A_294 : vector<16xi32>
      %reshape3A_296 = vector.shape_cast %xor3A_295 : vector<16xi32> to vector<16x1xi32>
      %gather3A_297 = vector.shape_cast %reshape3A_296 : vector<16x1xi32> to vector<16xi32>
      %gather3A_298 = tpu.dynamic_gather %max3A_292[%gather3A_297] in [0] : vector<16xf32>, vector<16xi32> -> vector<16xf32>
      %max3A_299 = arith.maximumf %max3A_292, %gather3A_298 : vector<16xf32>
      %xor3A_300 = arith.constant 1 : i32
      %xor3A_301 = vector.broadcast %xor3A_300 : i32 to vector<16xi32>
      %xor3A_302 = arith.xori %iota3A, %xor3A_301 : vector<16xi32>
      %reshape3A_303 = vector.shape_cast %xor3A_302 : vector<16xi32> to vector<16x1xi32>
      %gather3A_304 = vector.shape_cast %reshape3A_303 : vector<16x1xi32> to vector<16xi32>
      %gather3A_305 = tpu.dynamic_gather %select_n3A_271[%gather3A_304] in [0] : vector<16xf32>, vector<16xi32> -> vector<16xf32>
      %max3A_306 = arith.maximumf %select_n3A_271, %gather3A_305 : vector<16xf32>
      %xor3A_307 = arith.constant 2 : i32
      %xor3A_308 = vector.broadcast %xor3A_307 : i32 to vector<16xi32>
      %xor3A_309 = arith.xori %iota3A, %xor3A_308 : vector<16xi32>
      %reshape3A_310 = vector.shape_cast %xor3A_309 : vector<16xi32> to vector<16x1xi32>
      %gather3A_311 = vector.shape_cast %reshape3A_310 : vector<16x1xi32> to vector<16xi32>
      %gather3A_312 = tpu.dynamic_gather %max3A_306[%gather3A_311] in [0] : vector<16xf32>, vector<16xi32> -> vector<16xf32>
      %max3A_313 = arith.maximumf %max3A_306, %gather3A_312 : vector<16xf32>
      %xor3A_314 = arith.constant 4 : i32
      %xor3A_315 = vector.broadcast %xor3A_314 : i32 to vector<16xi32>
      %xor3A_316 = arith.xori %iota3A, %xor3A_315 : vector<16xi32>
      %reshape3A_317 = vector.shape_cast %xor3A_316 : vector<16xi32> to vector<16x1xi32>
      %gather3A_318 = vector.shape_cast %reshape3A_317 : vector<16x1xi32> to vector<16xi32>
      %gather3A_319 = tpu.dynamic_gather %max3A_313[%gather3A_318] in [0] : vector<16xf32>, vector<16xi32> -> vector<16xf32>
      %max3A_320 = arith.maximumf %max3A_313, %gather3A_319 : vector<16xf32>
      %xor3A_321 = arith.constant 8 : i32
      %xor3A_322 = vector.broadcast %xor3A_321 : i32 to vector<16xi32>
      %xor3A_323 = arith.xori %iota3A, %xor3A_322 : vector<16xi32>
      %reshape3A_324 = vector.shape_cast %xor3A_323 : vector<16xi32> to vector<16x1xi32>
      %gather3A_325 = vector.shape_cast %reshape3A_324 : vector<16x1xi32> to vector<16xi32>
      %gather3A_326 = tpu.dynamic_gather %max3A_320[%gather3A_325] in [0] : vector<16xf32>, vector<16xi32> -> vector<16xf32>
      %max3A_327 = arith.maximumf %max3A_320, %gather3A_326 : vector<16xf32>
      %max3A_328 = arith.maximumf %max3A_299, %max3A_327 : vector<16xf32>
      %eq3A_329 = arith.cmpf oeq, %select_n3A_267, %max3A_328 : vector<16xf32>
      %jit3A_330 = arith.constant 32 : i32
      %broadcast_in_dim3A_331 = vector.broadcast %jit3A_330 : i32 to vector<16xi32>
      %select_n3A_332 = arith.select %eq3A_329, %iota3A, %broadcast_in_dim3A_331 : vector<16xi1>, vector<16xi32>
      %xor3A_333 = arith.constant 1 : i32
      %xor3A_334 = vector.broadcast %xor3A_333 : i32 to vector<16xi32>
      %xor3A_335 = arith.xori %iota3A, %xor3A_334 : vector<16xi32>
      %reshape3A_336 = vector.shape_cast %xor3A_335 : vector<16xi32> to vector<16x1xi32>
      %gather3A_337 = vector.shape_cast %reshape3A_336 : vector<16x1xi32> to vector<16xi32>
      %gather3A_338 = tpu.dynamic_gather %select_n3A_332[%gather3A_337] in [0] : vector<16xi32>, vector<16xi32> -> vector<16xi32>
      %min3A_339 = arith.minsi %select_n3A_332, %gather3A_338 : vector<16xi32>
      %xor3A_340 = arith.constant 2 : i32
      %xor3A_341 = vector.broadcast %xor3A_340 : i32 to vector<16xi32>
      %xor3A_342 = arith.xori %iota3A, %xor3A_341 : vector<16xi32>
      %reshape3A_343 = vector.shape_cast %xor3A_342 : vector<16xi32> to vector<16x1xi32>
      %gather3A_344 = vector.shape_cast %reshape3A_343 : vector<16x1xi32> to vector<16xi32>
      %gather3A_345 = tpu.dynamic_gather %min3A_339[%gather3A_344] in [0] : vector<16xi32>, vector<16xi32> -> vector<16xi32>
      %min3A_346 = arith.minsi %min3A_339, %gather3A_345 : vector<16xi32>
      %xor3A_347 = arith.constant 4 : i32
      %xor3A_348 = vector.broadcast %xor3A_347 : i32 to vector<16xi32>
      %xor3A_349 = arith.xori %iota3A, %xor3A_348 : vector<16xi32>
      %reshape3A_350 = vector.shape_cast %xor3A_349 : vector<16xi32> to vector<16x1xi32>
      %gather3A_351 = vector.shape_cast %reshape3A_350 : vector<16x1xi32> to vector<16xi32>
      %gather3A_352 = tpu.dynamic_gather %min3A_346[%gather3A_351] in [0] : vector<16xi32>, vector<16xi32> -> vector<16xi32>
      %min3A_353 = arith.minsi %min3A_346, %gather3A_352 : vector<16xi32>
      %xor3A_354 = arith.constant 8 : i32
      %xor3A_355 = vector.broadcast %xor3A_354 : i32 to vector<16xi32>
      %xor3A_356 = arith.xori %iota3A, %xor3A_355 : vector<16xi32>
      %reshape3A_357 = vector.shape_cast %xor3A_356 : vector<16xi32> to vector<16x1xi32>
      %gather3A_358 = vector.shape_cast %reshape3A_357 : vector<16x1xi32> to vector<16xi32>
      %gather3A_359 = tpu.dynamic_gather %min3A_353[%gather3A_358] in [0] : vector<16xi32>, vector<16xi32> -> vector<16xi32>
      %min3A_360 = arith.minsi %min3A_353, %gather3A_359 : vector<16xi32>
      %eq3A_361 = arith.cmpf oeq, %select_n3A_271, %max3A_328 : vector<16xf32>
      %jit3A_362 = arith.constant 32 : i32
      %broadcast_in_dim3A_363 = vector.broadcast %jit3A_362 : i32 to vector<16xi32>
      %select_n3A_364 = arith.select %eq3A_361, %add3A_5, %broadcast_in_dim3A_363 : vector<16xi1>, vector<16xi32>
      %xor3A_365 = arith.constant 1 : i32
      %xor3A_366 = vector.broadcast %xor3A_365 : i32 to vector<16xi32>
      %xor3A_367 = arith.xori %iota3A, %xor3A_366 : vector<16xi32>
      %reshape3A_368 = vector.shape_cast %xor3A_367 : vector<16xi32> to vector<16x1xi32>
      %gather3A_369 = vector.shape_cast %reshape3A_368 : vector<16x1xi32> to vector<16xi32>
      %gather3A_370 = tpu.dynamic_gather %select_n3A_364[%gather3A_369] in [0] : vector<16xi32>, vector<16xi32> -> vector<16xi32>
      %min3A_371 = arith.minsi %select_n3A_364, %gather3A_370 : vector<16xi32>
      %xor3A_372 = arith.constant 2 : i32
      %xor3A_373 = vector.broadcast %xor3A_372 : i32 to vector<16xi32>
      %xor3A_374 = arith.xori %iota3A, %xor3A_373 : vector<16xi32>
      %reshape3A_375 = vector.shape_cast %xor3A_374 : vector<16xi32> to vector<16x1xi32>
      %gather3A_376 = vector.shape_cast %reshape3A_375 : vector<16x1xi32> to vector<16xi32>
      %gather3A_377 = tpu.dynamic_gather %min3A_371[%gather3A_376] in [0] : vector<16xi32>, vector<16xi32> -> vector<16xi32>
      %min3A_378 = arith.minsi %min3A_371, %gather3A_377 : vector<16xi32>
      %xor3A_379 = arith.constant 4 : i32
      %xor3A_380 = vector.broadcast %xor3A_379 : i32 to vector<16xi32>
      %xor3A_381 = arith.xori %iota3A, %xor3A_380 : vector<16xi32>
      %reshape3A_382 = vector.shape_cast %xor3A_381 : vector<16xi32> to vector<16x1xi32>
      %gather3A_383 = vector.shape_cast %reshape3A_382 : vector<16x1xi32> to vector<16xi32>
      %gather3A_384 = tpu.dynamic_gather %min3A_378[%gather3A_383] in [0] : vector<16xi32>, vector<16xi32> -> vector<16xi32>
      %min3A_385 = arith.minsi %min3A_378, %gather3A_384 : vector<16xi32>
      %xor3A_386 = arith.constant 8 : i32
      %xor3A_387 = vector.broadcast %xor3A_386 : i32 to vector<16xi32>
      %xor3A_388 = arith.xori %iota3A, %xor3A_387 : vector<16xi32>
      %reshape3A_389 = vector.shape_cast %xor3A_388 : vector<16xi32> to vector<16x1xi32>
      %gather3A_390 = vector.shape_cast %reshape3A_389 : vector<16x1xi32> to vector<16xi32>
      %gather3A_391 = tpu.dynamic_gather %min3A_385[%gather3A_390] in [0] : vector<16xi32>, vector<16xi32> -> vector<16xi32>
      %min3A_392 = arith.minsi %min3A_385, %gather3A_391 : vector<16xi32>
      %min3A_393 = arith.minsi %min3A_360, %min3A_392 : vector<16xi32>
      %eq3A_394 = arith.constant 2 : i32
      %eq3A_395 = vector.broadcast %eq3A_394 : i32 to vector<16xi32>
      %eq3A_396 = arith.cmpi eq, %iota3A, %eq3A_395 : vector<16xi32>
      %select_n3A_397 = arith.select %eq3A_396, %min3A_393, %select_n3A_263 : vector<16xi1>, vector<16xi32>
      %eq3A_398 = arith.cmpi eq, %iota3A, %min3A_393 : vector<16xi32>
      %jit3A_399 = arith.constant 0xFF800000 : f32
      %broadcast_in_dim3A_400 = vector.broadcast %jit3A_399 : f32 to vector<16xf32>
      %select_n3A_401 = arith.select %eq3A_398, %broadcast_in_dim3A_400, %select_n3A_267 : vector<16xi1>, vector<16xf32>
      %eq3A_402 = arith.cmpi eq, %add3A_5, %min3A_393 : vector<16xi32>
      %jit3A_403 = arith.constant 0xFF800000 : f32
      %broadcast_in_dim3A_404 = vector.broadcast %jit3A_403 : f32 to vector<16xf32>
      %select_n3A_405 = arith.select %eq3A_402, %broadcast_in_dim3A_404, %select_n3A_271 : vector<16xi1>, vector<16xf32>
      %xor3A_406 = arith.constant 1 : i32
      %xor3A_407 = vector.broadcast %xor3A_406 : i32 to vector<16xi32>
      %xor3A_408 = arith.xori %iota3A, %xor3A_407 : vector<16xi32>
      %reshape3A_409 = vector.shape_cast %xor3A_408 : vector<16xi32> to vector<16x1xi32>
      %gather3A_410 = vector.shape_cast %reshape3A_409 : vector<16x1xi32> to vector<16xi32>
      %gather3A_411 = tpu.dynamic_gather %select_n3A_401[%gather3A_410] in [0] : vector<16xf32>, vector<16xi32> -> vector<16xf32>
      %max3A_412 = arith.maximumf %select_n3A_401, %gather3A_411 : vector<16xf32>
      %xor3A_413 = arith.constant 2 : i32
      %xor3A_414 = vector.broadcast %xor3A_413 : i32 to vector<16xi32>
      %xor3A_415 = arith.xori %iota3A, %xor3A_414 : vector<16xi32>
      %reshape3A_416 = vector.shape_cast %xor3A_415 : vector<16xi32> to vector<16x1xi32>
      %gather3A_417 = vector.shape_cast %reshape3A_416 : vector<16x1xi32> to vector<16xi32>
      %gather3A_418 = tpu.dynamic_gather %max3A_412[%gather3A_417] in [0] : vector<16xf32>, vector<16xi32> -> vector<16xf32>
      %max3A_419 = arith.maximumf %max3A_412, %gather3A_418 : vector<16xf32>
      %xor3A_420 = arith.constant 4 : i32
      %xor3A_421 = vector.broadcast %xor3A_420 : i32 to vector<16xi32>
      %xor3A_422 = arith.xori %iota3A, %xor3A_421 : vector<16xi32>
      %reshape3A_423 = vector.shape_cast %xor3A_422 : vector<16xi32> to vector<16x1xi32>
      %gather3A_424 = vector.shape_cast %reshape3A_423 : vector<16x1xi32> to vector<16xi32>
      %gather3A_425 = tpu.dynamic_gather %max3A_419[%gather3A_424] in [0] : vector<16xf32>, vector<16xi32> -> vector<16xf32>
      %max3A_426 = arith.maximumf %max3A_419, %gather3A_425 : vector<16xf32>
      %xor3A_427 = arith.constant 8 : i32
      %xor3A_428 = vector.broadcast %xor3A_427 : i32 to vector<16xi32>
      %xor3A_429 = arith.xori %iota3A, %xor3A_428 : vector<16xi32>
      %reshape3A_430 = vector.shape_cast %xor3A_429 : vector<16xi32> to vector<16x1xi32>
      %gather3A_431 = vector.shape_cast %reshape3A_430 : vector<16x1xi32> to vector<16xi32>
      %gather3A_432 = tpu.dynamic_gather %max3A_426[%gather3A_431] in [0] : vector<16xf32>, vector<16xi32> -> vector<16xf32>
      %max3A_433 = arith.maximumf %max3A_426, %gather3A_432 : vector<16xf32>
      %xor3A_434 = arith.constant 1 : i32
      %xor3A_435 = vector.broadcast %xor3A_434 : i32 to vector<16xi32>
      %xor3A_436 = arith.xori %iota3A, %xor3A_435 : vector<16xi32>
      %reshape3A_437 = vector.shape_cast %xor3A_436 : vector<16xi32> to vector<16x1xi32>
      %gather3A_438 = vector.shape_cast %reshape3A_437 : vector<16x1xi32> to vector<16xi32>
      %gather3A_439 = tpu.dynamic_gather %select_n3A_405[%gather3A_438] in [0] : vector<16xf32>, vector<16xi32> -> vector<16xf32>
      %max3A_440 = arith.maximumf %select_n3A_405, %gather3A_439 : vector<16xf32>
      %xor3A_441 = arith.constant 2 : i32
      %xor3A_442 = vector.broadcast %xor3A_441 : i32 to vector<16xi32>
      %xor3A_443 = arith.xori %iota3A, %xor3A_442 : vector<16xi32>
      %reshape3A_444 = vector.shape_cast %xor3A_443 : vector<16xi32> to vector<16x1xi32>
      %gather3A_445 = vector.shape_cast %reshape3A_444 : vector<16x1xi32> to vector<16xi32>
      %gather3A_446 = tpu.dynamic_gather %max3A_440[%gather3A_445] in [0] : vector<16xf32>, vector<16xi32> -> vector<16xf32>
      %max3A_447 = arith.maximumf %max3A_440, %gather3A_446 : vector<16xf32>
      %xor3A_448 = arith.constant 4 : i32
      %xor3A_449 = vector.broadcast %xor3A_448 : i32 to vector<16xi32>
      %xor3A_450 = arith.xori %iota3A, %xor3A_449 : vector<16xi32>
      %reshape3A_451 = vector.shape_cast %xor3A_450 : vector<16xi32> to vector<16x1xi32>
      %gather3A_452 = vector.shape_cast %reshape3A_451 : vector<16x1xi32> to vector<16xi32>
      %gather3A_453 = tpu.dynamic_gather %max3A_447[%gather3A_452] in [0] : vector<16xf32>, vector<16xi32> -> vector<16xf32>
      %max3A_454 = arith.maximumf %max3A_447, %gather3A_453 : vector<16xf32>
      %xor3A_455 = arith.constant 8 : i32
      %xor3A_456 = vector.broadcast %xor3A_455 : i32 to vector<16xi32>
      %xor3A_457 = arith.xori %iota3A, %xor3A_456 : vector<16xi32>
      %reshape3A_458 = vector.shape_cast %xor3A_457 : vector<16xi32> to vector<16x1xi32>
      %gather3A_459 = vector.shape_cast %reshape3A_458 : vector<16x1xi32> to vector<16xi32>
      %gather3A_460 = tpu.dynamic_gather %max3A_454[%gather3A_459] in [0] : vector<16xf32>, vector<16xi32> -> vector<16xf32>
      %max3A_461 = arith.maximumf %max3A_454, %gather3A_460 : vector<16xf32>
      %max3A_462 = arith.maximumf %max3A_433, %max3A_461 : vector<16xf32>
      %eq3A_463 = arith.cmpf oeq, %select_n3A_401, %max3A_462 : vector<16xf32>
      %jit3A_464 = arith.constant 32 : i32
      %broadcast_in_dim3A_465 = vector.broadcast %jit3A_464 : i32 to vector<16xi32>
      %select_n3A_466 = arith.select %eq3A_463, %iota3A, %broadcast_in_dim3A_465 : vector<16xi1>, vector<16xi32>
      %xor3A_467 = arith.constant 1 : i32
      %xor3A_468 = vector.broadcast %xor3A_467 : i32 to vector<16xi32>
      %xor3A_469 = arith.xori %iota3A, %xor3A_468 : vector<16xi32>
      %reshape3A_470 = vector.shape_cast %xor3A_469 : vector<16xi32> to vector<16x1xi32>
      %gather3A_471 = vector.shape_cast %reshape3A_470 : vector<16x1xi32> to vector<16xi32>
      %gather3A_472 = tpu.dynamic_gather %select_n3A_466[%gather3A_471] in [0] : vector<16xi32>, vector<16xi32> -> vector<16xi32>
      %min3A_473 = arith.minsi %select_n3A_466, %gather3A_472 : vector<16xi32>
      %xor3A_474 = arith.constant 2 : i32
      %xor3A_475 = vector.broadcast %xor3A_474 : i32 to vector<16xi32>
      %xor3A_476 = arith.xori %iota3A, %xor3A_475 : vector<16xi32>
      %reshape3A_477 = vector.shape_cast %xor3A_476 : vector<16xi32> to vector<16x1xi32>
      %gather3A_478 = vector.shape_cast %reshape3A_477 : vector<16x1xi32> to vector<16xi32>
      %gather3A_479 = tpu.dynamic_gather %min3A_473[%gather3A_478] in [0] : vector<16xi32>, vector<16xi32> -> vector<16xi32>
      %min3A_480 = arith.minsi %min3A_473, %gather3A_479 : vector<16xi32>
      %xor3A_481 = arith.constant 4 : i32
      %xor3A_482 = vector.broadcast %xor3A_481 : i32 to vector<16xi32>
      %xor3A_483 = arith.xori %iota3A, %xor3A_482 : vector<16xi32>
      %reshape3A_484 = vector.shape_cast %xor3A_483 : vector<16xi32> to vector<16x1xi32>
      %gather3A_485 = vector.shape_cast %reshape3A_484 : vector<16x1xi32> to vector<16xi32>
      %gather3A_486 = tpu.dynamic_gather %min3A_480[%gather3A_485] in [0] : vector<16xi32>, vector<16xi32> -> vector<16xi32>
      %min3A_487 = arith.minsi %min3A_480, %gather3A_486 : vector<16xi32>
      %xor3A_488 = arith.constant 8 : i32
      %xor3A_489 = vector.broadcast %xor3A_488 : i32 to vector<16xi32>
      %xor3A_490 = arith.xori %iota3A, %xor3A_489 : vector<16xi32>
      %reshape3A_491 = vector.shape_cast %xor3A_490 : vector<16xi32> to vector<16x1xi32>
      %gather3A_492 = vector.shape_cast %reshape3A_491 : vector<16x1xi32> to vector<16xi32>
      %gather3A_493 = tpu.dynamic_gather %min3A_487[%gather3A_492] in [0] : vector<16xi32>, vector<16xi32> -> vector<16xi32>
      %min3A_494 = arith.minsi %min3A_487, %gather3A_493 : vector<16xi32>
      %eq3A_495 = arith.cmpf oeq, %select_n3A_405, %max3A_462 : vector<16xf32>
      %jit3A_496 = arith.constant 32 : i32
      %broadcast_in_dim3A_497 = vector.broadcast %jit3A_496 : i32 to vector<16xi32>
      %select_n3A_498 = arith.select %eq3A_495, %add3A_5, %broadcast_in_dim3A_497 : vector<16xi1>, vector<16xi32>
      %xor3A_499 = arith.constant 1 : i32
      %xor3A_500 = vector.broadcast %xor3A_499 : i32 to vector<16xi32>
      %xor3A_501 = arith.xori %iota3A, %xor3A_500 : vector<16xi32>
      %reshape3A_502 = vector.shape_cast %xor3A_501 : vector<16xi32> to vector<16x1xi32>
      %gather3A_503 = vector.shape_cast %reshape3A_502 : vector<16x1xi32> to vector<16xi32>
      %gather3A_504 = tpu.dynamic_gather %select_n3A_498[%gather3A_503] in [0] : vector<16xi32>, vector<16xi32> -> vector<16xi32>
      %min3A_505 = arith.minsi %select_n3A_498, %gather3A_504 : vector<16xi32>
      %xor3A_506 = arith.constant 2 : i32
      %xor3A_507 = vector.broadcast %xor3A_506 : i32 to vector<16xi32>
      %xor3A_508 = arith.xori %iota3A, %xor3A_507 : vector<16xi32>
      %reshape3A_509 = vector.shape_cast %xor3A_508 : vector<16xi32> to vector<16x1xi32>
      %gather3A_510 = vector.shape_cast %reshape3A_509 : vector<16x1xi32> to vector<16xi32>
      %gather3A_511 = tpu.dynamic_gather %min3A_505[%gather3A_510] in [0] : vector<16xi32>, vector<16xi32> -> vector<16xi32>
      %min3A_512 = arith.minsi %min3A_505, %gather3A_511 : vector<16xi32>
      %xor3A_513 = arith.constant 4 : i32
      %xor3A_514 = vector.broadcast %xor3A_513 : i32 to vector<16xi32>
      %xor3A_515 = arith.xori %iota3A, %xor3A_514 : vector<16xi32>
      %reshape3A_516 = vector.shape_cast %xor3A_515 : vector<16xi32> to vector<16x1xi32>
      %gather3A_517 = vector.shape_cast %reshape3A_516 : vector<16x1xi32> to vector<16xi32>
      %gather3A_518 = tpu.dynamic_gather %min3A_512[%gather3A_517] in [0] : vector<16xi32>, vector<16xi32> -> vector<16xi32>
      %min3A_519 = arith.minsi %min3A_512, %gather3A_518 : vector<16xi32>
      %xor3A_520 = arith.constant 8 : i32
      %xor3A_521 = vector.broadcast %xor3A_520 : i32 to vector<16xi32>
      %xor3A_522 = arith.xori %iota3A, %xor3A_521 : vector<16xi32>
      %reshape3A_523 = vector.shape_cast %xor3A_522 : vector<16xi32> to vector<16x1xi32>
      %gather3A_524 = vector.shape_cast %reshape3A_523 : vector<16x1xi32> to vector<16xi32>
      %gather3A_525 = tpu.dynamic_gather %min3A_519[%gather3A_524] in [0] : vector<16xi32>, vector<16xi32> -> vector<16xi32>
      %min3A_526 = arith.minsi %min3A_519, %gather3A_525 : vector<16xi32>
      %min3A_527 = arith.minsi %min3A_494, %min3A_526 : vector<16xi32>
      %eq3A_528 = arith.constant 3 : i32
      %eq3A_529 = vector.broadcast %eq3A_528 : i32 to vector<16xi32>
      %eq3A_530 = arith.cmpi eq, %iota3A, %eq3A_529 : vector<16xi32>
      %select_n3A_531 = arith.select %eq3A_530, %min3A_527, %select_n3A_397 : vector<16xi1>, vector<16xi32>
      %eq3A_532 = arith.cmpi eq, %iota3A, %min3A_527 : vector<16xi32>
      %jit3A_533 = arith.constant 0xFF800000 : f32
      %broadcast_in_dim3A_534 = vector.broadcast %jit3A_533 : f32 to vector<16xf32>
      %select_n3A_535 = arith.select %eq3A_532, %broadcast_in_dim3A_534, %select_n3A_401 : vector<16xi1>, vector<16xf32>
      %eq3A_536 = arith.cmpi eq, %add3A_5, %min3A_527 : vector<16xi32>
      %jit3A_537 = arith.constant 0xFF800000 : f32
      %broadcast_in_dim3A_538 = vector.broadcast %jit3A_537 : f32 to vector<16xf32>
      %select_n3A_539 = arith.select %eq3A_536, %broadcast_in_dim3A_538, %select_n3A_405 : vector<16xi1>, vector<16xf32>
      %xor3A_540 = arith.constant 1 : i32
      %xor3A_541 = vector.broadcast %xor3A_540 : i32 to vector<16xi32>
      %xor3A_542 = arith.xori %iota3A, %xor3A_541 : vector<16xi32>
      %reshape3A_543 = vector.shape_cast %xor3A_542 : vector<16xi32> to vector<16x1xi32>
      %gather3A_544 = vector.shape_cast %reshape3A_543 : vector<16x1xi32> to vector<16xi32>
      %gather3A_545 = tpu.dynamic_gather %select_n3A_535[%gather3A_544] in [0] : vector<16xf32>, vector<16xi32> -> vector<16xf32>
      %max3A_546 = arith.maximumf %select_n3A_535, %gather3A_545 : vector<16xf32>
      %xor3A_547 = arith.constant 2 : i32
      %xor3A_548 = vector.broadcast %xor3A_547 : i32 to vector<16xi32>
      %xor3A_549 = arith.xori %iota3A, %xor3A_548 : vector<16xi32>
      %reshape3A_550 = vector.shape_cast %xor3A_549 : vector<16xi32> to vector<16x1xi32>
      %gather3A_551 = vector.shape_cast %reshape3A_550 : vector<16x1xi32> to vector<16xi32>
      %gather3A_552 = tpu.dynamic_gather %max3A_546[%gather3A_551] in [0] : vector<16xf32>, vector<16xi32> -> vector<16xf32>
      %max3A_553 = arith.maximumf %max3A_546, %gather3A_552 : vector<16xf32>
      %xor3A_554 = arith.constant 4 : i32
      %xor3A_555 = vector.broadcast %xor3A_554 : i32 to vector<16xi32>
      %xor3A_556 = arith.xori %iota3A, %xor3A_555 : vector<16xi32>
      %reshape3A_557 = vector.shape_cast %xor3A_556 : vector<16xi32> to vector<16x1xi32>
      %gather3A_558 = vector.shape_cast %reshape3A_557 : vector<16x1xi32> to vector<16xi32>
      %gather3A_559 = tpu.dynamic_gather %max3A_553[%gather3A_558] in [0] : vector<16xf32>, vector<16xi32> -> vector<16xf32>
      %max3A_560 = arith.maximumf %max3A_553, %gather3A_559 : vector<16xf32>
      %xor3A_561 = arith.constant 8 : i32
      %xor3A_562 = vector.broadcast %xor3A_561 : i32 to vector<16xi32>
      %xor3A_563 = arith.xori %iota3A, %xor3A_562 : vector<16xi32>
      %reshape3A_564 = vector.shape_cast %xor3A_563 : vector<16xi32> to vector<16x1xi32>
      %gather3A_565 = vector.shape_cast %reshape3A_564 : vector<16x1xi32> to vector<16xi32>
      %gather3A_566 = tpu.dynamic_gather %max3A_560[%gather3A_565] in [0] : vector<16xf32>, vector<16xi32> -> vector<16xf32>
      %max3A_567 = arith.maximumf %max3A_560, %gather3A_566 : vector<16xf32>
      %xor3A_568 = arith.constant 1 : i32
      %xor3A_569 = vector.broadcast %xor3A_568 : i32 to vector<16xi32>
      %xor3A_570 = arith.xori %iota3A, %xor3A_569 : vector<16xi32>
      %reshape3A_571 = vector.shape_cast %xor3A_570 : vector<16xi32> to vector<16x1xi32>
      %gather3A_572 = vector.shape_cast %reshape3A_571 : vector<16x1xi32> to vector<16xi32>
      %gather3A_573 = tpu.dynamic_gather %select_n3A_539[%gather3A_572] in [0] : vector<16xf32>, vector<16xi32> -> vector<16xf32>
      %max3A_574 = arith.maximumf %select_n3A_539, %gather3A_573 : vector<16xf32>
      %xor3A_575 = arith.constant 2 : i32
      %xor3A_576 = vector.broadcast %xor3A_575 : i32 to vector<16xi32>
      %xor3A_577 = arith.xori %iota3A, %xor3A_576 : vector<16xi32>
      %reshape3A_578 = vector.shape_cast %xor3A_577 : vector<16xi32> to vector<16x1xi32>
      %gather3A_579 = vector.shape_cast %reshape3A_578 : vector<16x1xi32> to vector<16xi32>
      %gather3A_580 = tpu.dynamic_gather %max3A_574[%gather3A_579] in [0] : vector<16xf32>, vector<16xi32> -> vector<16xf32>
      %max3A_581 = arith.maximumf %max3A_574, %gather3A_580 : vector<16xf32>
      %xor3A_582 = arith.constant 4 : i32
      %xor3A_583 = vector.broadcast %xor3A_582 : i32 to vector<16xi32>
      %xor3A_584 = arith.xori %iota3A, %xor3A_583 : vector<16xi32>
      %reshape3A_585 = vector.shape_cast %xor3A_584 : vector<16xi32> to vector<16x1xi32>
      %gather3A_586 = vector.shape_cast %reshape3A_585 : vector<16x1xi32> to vector<16xi32>
      %gather3A_587 = tpu.dynamic_gather %max3A_581[%gather3A_586] in [0] : vector<16xf32>, vector<16xi32> -> vector<16xf32>
      %max3A_588 = arith.maximumf %max3A_581, %gather3A_587 : vector<16xf32>
      %xor3A_589 = arith.constant 8 : i32
      %xor3A_590 = vector.broadcast %xor3A_589 : i32 to vector<16xi32>
      %xor3A_591 = arith.xori %iota3A, %xor3A_590 : vector<16xi32>
      %reshape3A_592 = vector.shape_cast %xor3A_591 : vector<16xi32> to vector<16x1xi32>
      %gather3A_593 = vector.shape_cast %reshape3A_592 : vector<16x1xi32> to vector<16xi32>
      %gather3A_594 = tpu.dynamic_gather %max3A_588[%gather3A_593] in [0] : vector<16xf32>, vector<16xi32> -> vector<16xf32>
      %max3A_595 = arith.maximumf %max3A_588, %gather3A_594 : vector<16xf32>
      %max3A_596 = arith.maximumf %max3A_567, %max3A_595 : vector<16xf32>
      %eq3A_597 = arith.cmpf oeq, %select_n3A_535, %max3A_596 : vector<16xf32>
      %jit3A_598 = arith.constant 32 : i32
      %broadcast_in_dim3A_599 = vector.broadcast %jit3A_598 : i32 to vector<16xi32>
      %select_n3A_600 = arith.select %eq3A_597, %iota3A, %broadcast_in_dim3A_599 : vector<16xi1>, vector<16xi32>
      %xor3A_601 = arith.constant 1 : i32
      %xor3A_602 = vector.broadcast %xor3A_601 : i32 to vector<16xi32>
      %xor3A_603 = arith.xori %iota3A, %xor3A_602 : vector<16xi32>
      %reshape3A_604 = vector.shape_cast %xor3A_603 : vector<16xi32> to vector<16x1xi32>
      %gather3A_605 = vector.shape_cast %reshape3A_604 : vector<16x1xi32> to vector<16xi32>
      %gather3A_606 = tpu.dynamic_gather %select_n3A_600[%gather3A_605] in [0] : vector<16xi32>, vector<16xi32> -> vector<16xi32>
      %min3A_607 = arith.minsi %select_n3A_600, %gather3A_606 : vector<16xi32>
      %xor3A_608 = arith.constant 2 : i32
      %xor3A_609 = vector.broadcast %xor3A_608 : i32 to vector<16xi32>
      %xor3A_610 = arith.xori %iota3A, %xor3A_609 : vector<16xi32>
      %reshape3A_611 = vector.shape_cast %xor3A_610 : vector<16xi32> to vector<16x1xi32>
      %gather3A_612 = vector.shape_cast %reshape3A_611 : vector<16x1xi32> to vector<16xi32>
      %gather3A_613 = tpu.dynamic_gather %min3A_607[%gather3A_612] in [0] : vector<16xi32>, vector<16xi32> -> vector<16xi32>
      %min3A_614 = arith.minsi %min3A_607, %gather3A_613 : vector<16xi32>
      %xor3A_615 = arith.constant 4 : i32
      %xor3A_616 = vector.broadcast %xor3A_615 : i32 to vector<16xi32>
      %xor3A_617 = arith.xori %iota3A, %xor3A_616 : vector<16xi32>
      %reshape3A_618 = vector.shape_cast %xor3A_617 : vector<16xi32> to vector<16x1xi32>
      %gather3A_619 = vector.shape_cast %reshape3A_618 : vector<16x1xi32> to vector<16xi32>
      %gather3A_620 = tpu.dynamic_gather %min3A_614[%gather3A_619] in [0] : vector<16xi32>, vector<16xi32> -> vector<16xi32>
      %min3A_621 = arith.minsi %min3A_614, %gather3A_620 : vector<16xi32>
      %xor3A_622 = arith.constant 8 : i32
      %xor3A_623 = vector.broadcast %xor3A_622 : i32 to vector<16xi32>
      %xor3A_624 = arith.xori %iota3A, %xor3A_623 : vector<16xi32>
      %reshape3A_625 = vector.shape_cast %xor3A_624 : vector<16xi32> to vector<16x1xi32>
      %gather3A_626 = vector.shape_cast %reshape3A_625 : vector<16x1xi32> to vector<16xi32>
      %gather3A_627 = tpu.dynamic_gather %min3A_621[%gather3A_626] in [0] : vector<16xi32>, vector<16xi32> -> vector<16xi32>
      %min3A_628 = arith.minsi %min3A_621, %gather3A_627 : vector<16xi32>
      %eq3A_629 = arith.cmpf oeq, %select_n3A_539, %max3A_596 : vector<16xf32>
      %jit3A_630 = arith.constant 32 : i32
      %broadcast_in_dim3A_631 = vector.broadcast %jit3A_630 : i32 to vector<16xi32>
      %select_n3A_632 = arith.select %eq3A_629, %add3A_5, %broadcast_in_dim3A_631 : vector<16xi1>, vector<16xi32>
      %xor3A_633 = arith.constant 1 : i32
      %xor3A_634 = vector.broadcast %xor3A_633 : i32 to vector<16xi32>
      %xor3A_635 = arith.xori %iota3A, %xor3A_634 : vector<16xi32>
      %reshape3A_636 = vector.shape_cast %xor3A_635 : vector<16xi32> to vector<16x1xi32>
      %gather3A_637 = vector.shape_cast %reshape3A_636 : vector<16x1xi32> to vector<16xi32>
      %gather3A_638 = tpu.dynamic_gather %select_n3A_632[%gather3A_637] in [0] : vector<16xi32>, vector<16xi32> -> vector<16xi32>
      %min3A_639 = arith.minsi %select_n3A_632, %gather3A_638 : vector<16xi32>
      %xor3A_640 = arith.constant 2 : i32
      %xor3A_641 = vector.broadcast %xor3A_640 : i32 to vector<16xi32>
      %xor3A_642 = arith.xori %iota3A, %xor3A_641 : vector<16xi32>
      %reshape3A_643 = vector.shape_cast %xor3A_642 : vector<16xi32> to vector<16x1xi32>
      %gather3A_644 = vector.shape_cast %reshape3A_643 : vector<16x1xi32> to vector<16xi32>
      %gather3A_645 = tpu.dynamic_gather %min3A_639[%gather3A_644] in [0] : vector<16xi32>, vector<16xi32> -> vector<16xi32>
      %min3A_646 = arith.minsi %min3A_639, %gather3A_645 : vector<16xi32>
      %xor3A_647 = arith.constant 4 : i32
      %xor3A_648 = vector.broadcast %xor3A_647 : i32 to vector<16xi32>
      %xor3A_649 = arith.xori %iota3A, %xor3A_648 : vector<16xi32>
      %reshape3A_650 = vector.shape_cast %xor3A_649 : vector<16xi32> to vector<16x1xi32>
      %gather3A_651 = vector.shape_cast %reshape3A_650 : vector<16x1xi32> to vector<16xi32>
      %gather3A_652 = tpu.dynamic_gather %min3A_646[%gather3A_651] in [0] : vector<16xi32>, vector<16xi32> -> vector<16xi32>
      %min3A_653 = arith.minsi %min3A_646, %gather3A_652 : vector<16xi32>
      %xor3A_654 = arith.constant 8 : i32
      %xor3A_655 = vector.broadcast %xor3A_654 : i32 to vector<16xi32>
      %xor3A_656 = arith.xori %iota3A, %xor3A_655 : vector<16xi32>
      %reshape3A_657 = vector.shape_cast %xor3A_656 : vector<16xi32> to vector<16x1xi32>
      %gather3A_658 = vector.shape_cast %reshape3A_657 : vector<16x1xi32> to vector<16xi32>
      %gather3A_659 = tpu.dynamic_gather %min3A_653[%gather3A_658] in [0] : vector<16xi32>, vector<16xi32> -> vector<16xi32>
      %min3A_660 = arith.minsi %min3A_653, %gather3A_659 : vector<16xi32>
      %min3A_661 = arith.minsi %min3A_628, %min3A_660 : vector<16xi32>
      %eq3A_662 = arith.constant 4 : i32
      %eq3A_663 = vector.broadcast %eq3A_662 : i32 to vector<16xi32>
      %eq3A_664 = arith.cmpi eq, %iota3A, %eq3A_663 : vector<16xi32>
      %select_n3A_665 = arith.select %eq3A_664, %min3A_661, %select_n3A_531 : vector<16xi1>, vector<16xi32>
      %eq3A_666 = arith.cmpi eq, %iota3A, %min3A_661 : vector<16xi32>
      %jit3A_667 = arith.constant 0xFF800000 : f32
      %broadcast_in_dim3A_668 = vector.broadcast %jit3A_667 : f32 to vector<16xf32>
      %select_n3A_669 = arith.select %eq3A_666, %broadcast_in_dim3A_668, %select_n3A_535 : vector<16xi1>, vector<16xf32>
      %eq3A_670 = arith.cmpi eq, %add3A_5, %min3A_661 : vector<16xi32>
      %jit3A_671 = arith.constant 0xFF800000 : f32
      %broadcast_in_dim3A_672 = vector.broadcast %jit3A_671 : f32 to vector<16xf32>
      %select_n3A_673 = arith.select %eq3A_670, %broadcast_in_dim3A_672, %select_n3A_539 : vector<16xi1>, vector<16xf32>
      %swap3A = arith.constant 0 : index
      %swap3A_674 = tpu.vector_load %arg5[%swap3A] {strides = array<i32>} : memref<16xi32, #tpu.memory_space<vmem>>, vector<16xi32>,
      %swap3A_675 = vector.shape_cast %swap3A_674 : vector<16xi32> to vector<16xi32>
      %swap3A_676 = vector.shape_cast %select_n3A_665 : vector<16xi32> to vector<16xi32>
      tpu.vector_store %arg5[%swap3A], %swap3A_676 {strides = array<i32>} : memref<16xi32, #tpu.memory_space<vmem>>, vector<16xi32>,
      "tpu.region"() ({
        %run_scoped3A = tpu.sem_alloc : memref<!tpu.dma_semaphore, #tpu.memory_space<semaphore_mem>>
        %dma_start3A = arith.constant 0 : i32
        %dma_start3A_677 = tpu.memref_slice %arg3[%add3A, %dma_start3A] : memref<16x16xi32, #tpu.memory_space<hbm>> -> memref<1x16xi32, #tpu.memory_space<hbm>>
        %dma_start3A_678 = tpu.memref_squeeze %dma_start3A_677 : memref<1x16xi32, #tpu.memory_space<hbm>> -> memref<16xi32, #tpu.memory_space<hbm>>
        %dma_start3A_679 = arith.constant 0 : i32
        %dma_start3A_680 = tpu.memref_slice %arg3[%add3A, %dma_start3A_679] : memref<16x16xi32, #tpu.memory_space<hbm>> -> memref<1x16xi32, #tpu.memory_space<hbm>>
        %dma_start3A_681 = tpu.memref_squeeze %dma_start3A_680 : memref<1x16xi32, #tpu.memory_space<hbm>> -> memref<16xi32, #tpu.memory_space<hbm>>
        tpu.enqueue_dma source(%arg5 : memref<16xi32, #tpu.memory_space<vmem>>) target(%dma_start3A_681 : memref<16xi32, #tpu.memory_space<hbm>>) target_semaphore(%run_scoped3A : memref<!tpu.dma_semaphore, #tpu.memory_space<semaphore_mem>>)
        %dma_wait3A = arith.constant 0 : i32
        %dma_wait3A_682 = tpu.memref_slice %arg3[%add3A, %dma_wait3A] : memref<16x16xi32, #tpu.memory_space<hbm>> -> memref<1x16xi32, #tpu.memory_space<hbm>>
        %dma_wait3A_683 = tpu.memref_squeeze %dma_wait3A_682 : memref<1x16xi32, #tpu.memory_space<hbm>> -> memref<16xi32, #tpu.memory_space<hbm>>
        %dma_wait3A_684 = arith.constant 0 : i32
        %dma_wait3A_685 = tpu.memref_slice %arg3[%add3A, %dma_wait3A_684] : memref<16x16xi32, #tpu.memory_space<hbm>> -> memref<1x16xi32, #tpu.memory_space<hbm>>
        %dma_wait3A_686 = tpu.memref_squeeze %dma_wait3A_685 : memref<1x16xi32, #tpu.memory_space<hbm>> -> memref<16xi32, #tpu.memory_space<hbm>>
        tpu.wait_dma2 semaphore(%run_scoped3A : memref<!tpu.dma_semaphore, #tpu.memory_space<semaphore_mem>>) src(%arg5 : memref<16xi32, #tpu.memory_space<vmem>>) dst(%dma_wait3A_686 : memref<16xi32, #tpu.memory_space<hbm>>)
        tpu.yield
      }) : () -> ()
    } else {
    }
    return
  }
}

module attributes {stable_mosaic.version = 14 : i64} {
  func.func @_scores_kernel(%arg0: i32, %arg1: memref<128x16x512xf32, #tpu.memory_space<vmem>>, %arg2: memref<1x16x65536xf32, #tpu.memory_space<vmem>>, %arg3: memref<1x16x65536xf32, #tpu.memory_space<vmem>>, %arg4: memref<16x1x20xf32, #tpu.memory_space<vmem>>, %arg5: memref<16x32xf32, #tpu.memory_space<vmem>>) attributes {dimension_semantics = [#tpu.dimension_semantics<arbitrary>], iteration_bounds = array<i64: 10>, scalar_prefetch = 0 : i64, scratch_operands = 0 : i64, tpu.core_type = #tpu.core_type<tc>, window_params = [{pipeline_mode = #tpu.pipeline_mode<synchronous>, transform_indices = @transform_0, window_bounds = array<i64: 128, 16, 512>}, {transform_indices = @transform_1, window_bounds = array<i64: 1, 16, 65536>}, {transform_indices = @transform_2, window_bounds = array<i64: 1, 16, 65536>}, {pipeline_mode = #tpu.pipeline_mode<synchronous>, transform_indices = @transform_3, window_bounds = array<i64: 16, 1, 20>}, {pipeline_mode = #tpu.pipeline_mode<synchronous>, transform_indices = @transform_4, window_bounds = array<i64: 16, 32>}]} {
    %eq3A = arith.constant 0 : i32
    %eq3A_0 = arith.cmpi eq, %arg0, %eq3A : i32
    %convert_element_type3A = arith.extui %eq3A_0 : i1 to i32
    %cond3A = arith.constant 0 : i32
    %cond3A_1 = arith.cmpi ne, %convert_element_type3A, %cond3A : i32
    scf.if %cond3A_1 {
      %broadcast_in_dim3A_651 = arith.constant 0xFF800000 : f32
      %broadcast_in_dim3A_652 = vector.broadcast %broadcast_in_dim3A_651 : f32 to vector<16x32xf32>
      %swap3A_653 = arith.constant 0 : index
      %swap3A_654 = arith.constant 0 : index
      %swap3A_655 = vector.load %arg5[%swap3A_653, %swap3A_654] : memref<16x32xf32, #tpu.memory_space<vmem>>, vector<16x32xf32>
      tpu.vector_store %arg5[%swap3A_653, %swap3A_654], %broadcast_in_dim3A_652 {strides = array<i32>} : memref<16x32xf32, #tpu.memory_space<vmem>>, vector<16x32xf32>,
    } else {
    }
    %iota3A = tpu.iota {dimensions = array<i32: 0>} : vector<16x1xi32>
    %iota3A_2 = tpu.iota {dimensions = array<i32: 1>} : vector<16x32xi32>
    %get3A = arith.constant 0 : index
    %get3A_3 = arith.constant 0 : index
    %get3A_4 = arith.constant 0 : index
    %get3A_5 = vector.load %arg2[%get3A, %get3A_3, %get3A_4] : memref<1x16x65536xf32, #tpu.memory_space<vmem>>, vector<1x16x65536xf32>
    %get3A_6 = vector.shape_cast %get3A_5 : vector<1x16x65536xf32> to vector<16x65536xf32>
    %reshape3A = vector.shape_cast %get3A_6 : vector<16x65536xf32> to vector<16x128x512xf32>
    %broadcast_in_dim3A = arith.constant 0xFF800000 : f32
    %broadcast_in_dim3A_7 = vector.broadcast %broadcast_in_dim3A : f32 to vector<16x1xf32>
    %slice3A = vector.extract_strided_slice %reshape3A {offsets = [0, 0, 0], sizes = [1, 128, 512], strides = [1, 1, 1]} : vector<16x128x512xf32> to vector<1x128x512xf32>
    %squeeze3A = vector.shape_cast %slice3A : vector<1x128x512xf32> to vector<128x512xf32>
    %get3A_8 = arith.constant 0 : index
    %get3A_9 = arith.constant 0 : index
    %get3A_10 = arith.constant 0 : index
    %get3A_11 = vector.load %arg1[%get3A_8, %get3A_9, %get3A_10] : memref<128x16x512xf32, #tpu.memory_space<vmem>>, vector<128x1x512xf32>
    %get3A_12 = vector.shape_cast %get3A_11 : vector<128x1x512xf32> to vector<128x512xf32>
    %dot_general3A = arith.constant dense<0.000000e+00> : vector<128x128xf32>
    %dot_general3A_13 = tpu.matmul %squeeze3A, %get3A_12, %dot_general3A {dimension_numbers = #tpu.dot_dimension_numbers<[1], [1], [0], [0], [0, 0, 1, 0], [], []>, transpose_lhs_hint = false} : vector<128x512xf32>, vector<128x512xf32>, vector<128x128xf32> -> vector<128x128xf32>
    %eq3A_14 = arith.constant 0 : i32
    %eq3A_15 = vector.broadcast %eq3A_14 : i32 to vector<16x1xi32>
    %eq3A_16 = arith.cmpi eq, %iota3A, %eq3A_15 : vector<16x1xi32>
    %reduce_max3A = vector.shape_cast %dot_general3A_13 : vector<128x128xf32> to vector<1x128x128xf32>
    %reduce_max3A_17 = arith.constant dense<0xFF800000> : vector<1xf32>
    %reduce_max3A_18 = vector.multi_reduction <maximumf>, %reduce_max3A, %reduce_max3A_17 [1, 2] : vector<1x128x128xf32> to vector<1xf32>
    %reduce_max3A_19 = vector.shape_cast %reduce_max3A_18 : vector<1xf32> to vector<1x1x1xf32>
    %reduce_max3A_20 = vector.extract %reduce_max3A_19[0, 0, 0] : f32 from vector<1x1x1xf32>
    %broadcast_in_dim3A_21 = vector.broadcast %reduce_max3A_20 : f32 to vector<16x1xf32>
    %select_n3A = arith.select %eq3A_16, %broadcast_in_dim3A_21, %broadcast_in_dim3A_7 : vector<16x1xi1>, vector<16x1xf32>
    %slice3A_22 = vector.extract_strided_slice %reshape3A {offsets = [1, 0, 0], sizes = [1, 128, 512], strides = [1, 1, 1]} : vector<16x128x512xf32> to vector<1x128x512xf32>
    %squeeze3A_23 = vector.shape_cast %slice3A_22 : vector<1x128x512xf32> to vector<128x512xf32>
    %get3A_24 = arith.constant 0 : index
    %get3A_25 = arith.constant 1 : index
    %get3A_26 = arith.constant 0 : index
    %get3A_27 = vector.load %arg1[%get3A_24, %get3A_25, %get3A_26] : memref<128x16x512xf32, #tpu.memory_space<vmem>>, vector<128x1x512xf32>
    %get3A_28 = vector.shape_cast %get3A_27 : vector<128x1x512xf32> to vector<128x512xf32>
    %dot_general3A_29 = arith.constant dense<0.000000e+00> : vector<128x128xf32>
    %dot_general3A_30 = tpu.matmul %squeeze3A_23, %get3A_28, %dot_general3A_29 {dimension_numbers = #tpu.dot_dimension_numbers<[1], [1], [0], [0], [0, 0, 1, 0], [], []>, transpose_lhs_hint = false} : vector<128x512xf32>, vector<128x512xf32>, vector<128x128xf32> -> vector<128x128xf32>
    %eq3A_31 = arith.constant 1 : i32
    %eq3A_32 = vector.broadcast %eq3A_31 : i32 to vector<16x1xi32>
    %eq3A_33 = arith.cmpi eq, %iota3A, %eq3A_32 : vector<16x1xi32>
    %reduce_max3A_34 = vector.shape_cast %dot_general3A_30 : vector<128x128xf32> to vector<1x128x128xf32>
    %reduce_max3A_35 = arith.constant dense<0xFF800000> : vector<1xf32>
    %reduce_max3A_36 = vector.multi_reduction <maximumf>, %reduce_max3A_34, %reduce_max3A_35 [1, 2] : vector<1x128x128xf32> to vector<1xf32>
    %reduce_max3A_37 = vector.shape_cast %reduce_max3A_36 : vector<1xf32> to vector<1x1x1xf32>
    %reduce_max3A_38 = vector.extract %reduce_max3A_37[0, 0, 0] : f32 from vector<1x1x1xf32>
    %broadcast_in_dim3A_39 = vector.broadcast %reduce_max3A_38 : f32 to vector<16x1xf32>
    %select_n3A_40 = arith.select %eq3A_33, %broadcast_in_dim3A_39, %select_n3A : vector<16x1xi1>, vector<16x1xf32>
    %slice3A_41 = vector.extract_strided_slice %reshape3A {offsets = [2, 0, 0], sizes = [1, 128, 512], strides = [1, 1, 1]} : vector<16x128x512xf32> to vector<1x128x512xf32>
    %squeeze3A_42 = vector.shape_cast %slice3A_41 : vector<1x128x512xf32> to vector<128x512xf32>
    %get3A_43 = arith.constant 0 : index
    %get3A_44 = arith.constant 2 : index
    %get3A_45 = arith.constant 0 : index
    %get3A_46 = vector.load %arg1[%get3A_43, %get3A_44, %get3A_45] : memref<128x16x512xf32, #tpu.memory_space<vmem>>, vector<128x1x512xf32>
    %get3A_47 = vector.shape_cast %get3A_46 : vector<128x1x512xf32> to vector<128x512xf32>
    %dot_general3A_48 = arith.constant dense<0.000000e+00> : vector<128x128xf32>
    %dot_general3A_49 = tpu.matmul %squeeze3A_42, %get3A_47, %dot_general3A_48 {dimension_numbers = #tpu.dot_dimension_numbers<[1], [1], [0], [0], [0, 0, 1, 0], [], []>, transpose_lhs_hint = false} : vector<128x512xf32>, vector<128x512xf32>, vector<128x128xf32> -> vector<128x128xf32>
    %eq3A_50 = arith.constant 2 : i32
    %eq3A_51 = vector.broadcast %eq3A_50 : i32 to vector<16x1xi32>
    %eq3A_52 = arith.cmpi eq, %iota3A, %eq3A_51 : vector<16x1xi32>
    %reduce_max3A_53 = vector.shape_cast %dot_general3A_49 : vector<128x128xf32> to vector<1x128x128xf32>
    %reduce_max3A_54 = arith.constant dense<0xFF800000> : vector<1xf32>
    %reduce_max3A_55 = vector.multi_reduction <maximumf>, %reduce_max3A_53, %reduce_max3A_54 [1, 2] : vector<1x128x128xf32> to vector<1xf32>
    %reduce_max3A_56 = vector.shape_cast %reduce_max3A_55 : vector<1xf32> to vector<1x1x1xf32>
    %reduce_max3A_57 = vector.extract %reduce_max3A_56[0, 0, 0] : f32 from vector<1x1x1xf32>
    %broadcast_in_dim3A_58 = vector.broadcast %reduce_max3A_57 : f32 to vector<16x1xf32>
    %select_n3A_59 = arith.select %eq3A_52, %broadcast_in_dim3A_58, %select_n3A_40 : vector<16x1xi1>, vector<16x1xf32>
    %slice3A_60 = vector.extract_strided_slice %reshape3A {offsets = [3, 0, 0], sizes = [1, 128, 512], strides = [1, 1, 1]} : vector<16x128x512xf32> to vector<1x128x512xf32>
    %squeeze3A_61 = vector.shape_cast %slice3A_60 : vector<1x128x512xf32> to vector<128x512xf32>
    %get3A_62 = arith.constant 0 : index
    %get3A_63 = arith.constant 3 : index
    %get3A_64 = arith.constant 0 : index
    %get3A_65 = vector.load %arg1[%get3A_62, %get3A_63, %get3A_64] : memref<128x16x512xf32, #tpu.memory_space<vmem>>, vector<128x1x512xf32>
    %get3A_66 = vector.shape_cast %get3A_65 : vector<128x1x512xf32> to vector<128x512xf32>
    %dot_general3A_67 = arith.constant dense<0.000000e+00> : vector<128x128xf32>
    %dot_general3A_68 = tpu.matmul %squeeze3A_61, %get3A_66, %dot_general3A_67 {dimension_numbers = #tpu.dot_dimension_numbers<[1], [1], [0], [0], [0, 0, 1, 0], [], []>, transpose_lhs_hint = false} : vector<128x512xf32>, vector<128x512xf32>, vector<128x128xf32> -> vector<128x128xf32>
    %eq3A_69 = arith.constant 3 : i32
    %eq3A_70 = vector.broadcast %eq3A_69 : i32 to vector<16x1xi32>
    %eq3A_71 = arith.cmpi eq, %iota3A, %eq3A_70 : vector<16x1xi32>
    %reduce_max3A_72 = vector.shape_cast %dot_general3A_68 : vector<128x128xf32> to vector<1x128x128xf32>
    %reduce_max3A_73 = arith.constant dense<0xFF800000> : vector<1xf32>
    %reduce_max3A_74 = vector.multi_reduction <maximumf>, %reduce_max3A_72, %reduce_max3A_73 [1, 2] : vector<1x128x128xf32> to vector<1xf32>
    %reduce_max3A_75 = vector.shape_cast %reduce_max3A_74 : vector<1xf32> to vector<1x1x1xf32>
    %reduce_max3A_76 = vector.extract %reduce_max3A_75[0, 0, 0] : f32 from vector<1x1x1xf32>
    %broadcast_in_dim3A_77 = vector.broadcast %reduce_max3A_76 : f32 to vector<16x1xf32>
    %select_n3A_78 = arith.select %eq3A_71, %broadcast_in_dim3A_77, %select_n3A_59 : vector<16x1xi1>, vector<16x1xf32>
    %slice3A_79 = vector.extract_strided_slice %reshape3A {offsets = [4, 0, 0], sizes = [1, 128, 512], strides = [1, 1, 1]} : vector<16x128x512xf32> to vector<1x128x512xf32>
    %squeeze3A_80 = vector.shape_cast %slice3A_79 : vector<1x128x512xf32> to vector<128x512xf32>
    %get3A_81 = arith.constant 0 : index
    %get3A_82 = arith.constant 4 : index
    %get3A_83 = arith.constant 0 : index
    %get3A_84 = vector.load %arg1[%get3A_81, %get3A_82, %get3A_83] : memref<128x16x512xf32, #tpu.memory_space<vmem>>, vector<128x1x512xf32>
    %get3A_85 = vector.shape_cast %get3A_84 : vector<128x1x512xf32> to vector<128x512xf32>
    %dot_general3A_86 = arith.constant dense<0.000000e+00> : vector<128x128xf32>
    %dot_general3A_87 = tpu.matmul %squeeze3A_80, %get3A_85, %dot_general3A_86 {dimension_numbers = #tpu.dot_dimension_numbers<[1], [1], [0], [0], [0, 0, 1, 0], [], []>, transpose_lhs_hint = false} : vector<128x512xf32>, vector<128x512xf32>, vector<128x128xf32> -> vector<128x128xf32>
    %eq3A_88 = arith.constant 4 : i32
    %eq3A_89 = vector.broadcast %eq3A_88 : i32 to vector<16x1xi32>
    %eq3A_90 = arith.cmpi eq, %iota3A, %eq3A_89 : vector<16x1xi32>
    %reduce_max3A_91 = vector.shape_cast %dot_general3A_87 : vector<128x128xf32> to vector<1x128x128xf32>
    %reduce_max3A_92 = arith.constant dense<0xFF800000> : vector<1xf32>
    %reduce_max3A_93 = vector.multi_reduction <maximumf>, %reduce_max3A_91, %reduce_max3A_92 [1, 2] : vector<1x128x128xf32> to vector<1xf32>
    %reduce_max3A_94 = vector.shape_cast %reduce_max3A_93 : vector<1xf32> to vector<1x1x1xf32>
    %reduce_max3A_95 = vector.extract %reduce_max3A_94[0, 0, 0] : f32 from vector<1x1x1xf32>
    %broadcast_in_dim3A_96 = vector.broadcast %reduce_max3A_95 : f32 to vector<16x1xf32>
    %select_n3A_97 = arith.select %eq3A_90, %broadcast_in_dim3A_96, %select_n3A_78 : vector<16x1xi1>, vector<16x1xf32>
    %slice3A_98 = vector.extract_strided_slice %reshape3A {offsets = [5, 0, 0], sizes = [1, 128, 512], strides = [1, 1, 1]} : vector<16x128x512xf32> to vector<1x128x512xf32>
    %squeeze3A_99 = vector.shape_cast %slice3A_98 : vector<1x128x512xf32> to vector<128x512xf32>
    %get3A_100 = arith.constant 0 : index
    %get3A_101 = arith.constant 5 : index
    %get3A_102 = arith.constant 0 : index
    %get3A_103 = vector.load %arg1[%get3A_100, %get3A_101, %get3A_102] : memref<128x16x512xf32, #tpu.memory_space<vmem>>, vector<128x1x512xf32>
    %get3A_104 = vector.shape_cast %get3A_103 : vector<128x1x512xf32> to vector<128x512xf32>
    %dot_general3A_105 = arith.constant dense<0.000000e+00> : vector<128x128xf32>
    %dot_general3A_106 = tpu.matmul %squeeze3A_99, %get3A_104, %dot_general3A_105 {dimension_numbers = #tpu.dot_dimension_numbers<[1], [1], [0], [0], [0, 0, 1, 0], [], []>, transpose_lhs_hint = false} : vector<128x512xf32>, vector<128x512xf32>, vector<128x128xf32> -> vector<128x128xf32>
    %eq3A_107 = arith.constant 5 : i32
    %eq3A_108 = vector.broadcast %eq3A_107 : i32 to vector<16x1xi32>
    %eq3A_109 = arith.cmpi eq, %iota3A, %eq3A_108 : vector<16x1xi32>
    %reduce_max3A_110 = vector.shape_cast %dot_general3A_106 : vector<128x128xf32> to vector<1x128x128xf32>
    %reduce_max3A_111 = arith.constant dense<0xFF800000> : vector<1xf32>
    %reduce_max3A_112 = vector.multi_reduction <maximumf>, %reduce_max3A_110, %reduce_max3A_111 [1, 2] : vector<1x128x128xf32> to vector<1xf32>
    %reduce_max3A_113 = vector.shape_cast %reduce_max3A_112 : vector<1xf32> to vector<1x1x1xf32>
    %reduce_max3A_114 = vector.extract %reduce_max3A_113[0, 0, 0] : f32 from vector<1x1x1xf32>
    %broadcast_in_dim3A_115 = vector.broadcast %reduce_max3A_114 : f32 to vector<16x1xf32>
    %select_n3A_116 = arith.select %eq3A_109, %broadcast_in_dim3A_115, %select_n3A_97 : vector<16x1xi1>, vector<16x1xf32>
    %slice3A_117 = vector.extract_strided_slice %reshape3A {offsets = [6, 0, 0], sizes = [1, 128, 512], strides = [1, 1, 1]} : vector<16x128x512xf32> to vector<1x128x512xf32>
    %squeeze3A_118 = vector.shape_cast %slice3A_117 : vector<1x128x512xf32> to vector<128x512xf32>
    %get3A_119 = arith.constant 0 : index
    %get3A_120 = arith.constant 6 : index
    %get3A_121 = arith.constant 0 : index
    %get3A_122 = vector.load %arg1[%get3A_119, %get3A_120, %get3A_121] : memref<128x16x512xf32, #tpu.memory_space<vmem>>, vector<128x1x512xf32>
    %get3A_123 = vector.shape_cast %get3A_122 : vector<128x1x512xf32> to vector<128x512xf32>
    %dot_general3A_124 = arith.constant dense<0.000000e+00> : vector<128x128xf32>
    %dot_general3A_125 = tpu.matmul %squeeze3A_118, %get3A_123, %dot_general3A_124 {dimension_numbers = #tpu.dot_dimension_numbers<[1], [1], [0], [0], [0, 0, 1, 0], [], []>, transpose_lhs_hint = false} : vector<128x512xf32>, vector<128x512xf32>, vector<128x128xf32> -> vector<128x128xf32>
    %eq3A_126 = arith.constant 6 : i32
    %eq3A_127 = vector.broadcast %eq3A_126 : i32 to vector<16x1xi32>
    %eq3A_128 = arith.cmpi eq, %iota3A, %eq3A_127 : vector<16x1xi32>
    %reduce_max3A_129 = vector.shape_cast %dot_general3A_125 : vector<128x128xf32> to vector<1x128x128xf32>
    %reduce_max3A_130 = arith.constant dense<0xFF800000> : vector<1xf32>
    %reduce_max3A_131 = vector.multi_reduction <maximumf>, %reduce_max3A_129, %reduce_max3A_130 [1, 2] : vector<1x128x128xf32> to vector<1xf32>
    %reduce_max3A_132 = vector.shape_cast %reduce_max3A_131 : vector<1xf32> to vector<1x1x1xf32>
    %reduce_max3A_133 = vector.extract %reduce_max3A_132[0, 0, 0] : f32 from vector<1x1x1xf32>
    %broadcast_in_dim3A_134 = vector.broadcast %reduce_max3A_133 : f32 to vector<16x1xf32>
    %select_n3A_135 = arith.select %eq3A_128, %broadcast_in_dim3A_134, %select_n3A_116 : vector<16x1xi1>, vector<16x1xf32>
    %slice3A_136 = vector.extract_strided_slice %reshape3A {offsets = [7, 0, 0], sizes = [1, 128, 512], strides = [1, 1, 1]} : vector<16x128x512xf32> to vector<1x128x512xf32>
    %squeeze3A_137 = vector.shape_cast %slice3A_136 : vector<1x128x512xf32> to vector<128x512xf32>
    %get3A_138 = arith.constant 0 : index
    %get3A_139 = arith.constant 7 : index
    %get3A_140 = arith.constant 0 : index
    %get3A_141 = vector.load %arg1[%get3A_138, %get3A_139, %get3A_140] : memref<128x16x512xf32, #tpu.memory_space<vmem>>, vector<128x1x512xf32>
    %get3A_142 = vector.shape_cast %get3A_141 : vector<128x1x512xf32> to vector<128x512xf32>
    %dot_general3A_143 = arith.constant dense<0.000000e+00> : vector<128x128xf32>
    %dot_general3A_144 = tpu.matmul %squeeze3A_137, %get3A_142, %dot_general3A_143 {dimension_numbers = #tpu.dot_dimension_numbers<[1], [1], [0], [0], [0, 0, 1, 0], [], []>, transpose_lhs_hint = false} : vector<128x512xf32>, vector<128x512xf32>, vector<128x128xf32> -> vector<128x128xf32>
    %eq3A_145 = arith.constant 7 : i32
    %eq3A_146 = vector.broadcast %eq3A_145 : i32 to vector<16x1xi32>
    %eq3A_147 = arith.cmpi eq, %iota3A, %eq3A_146 : vector<16x1xi32>
    %reduce_max3A_148 = vector.shape_cast %dot_general3A_144 : vector<128x128xf32> to vector<1x128x128xf32>
    %reduce_max3A_149 = arith.constant dense<0xFF800000> : vector<1xf32>
    %reduce_max3A_150 = vector.multi_reduction <maximumf>, %reduce_max3A_148, %reduce_max3A_149 [1, 2] : vector<1x128x128xf32> to vector<1xf32>
    %reduce_max3A_151 = vector.shape_cast %reduce_max3A_150 : vector<1xf32> to vector<1x1x1xf32>
    %reduce_max3A_152 = vector.extract %reduce_max3A_151[0, 0, 0] : f32 from vector<1x1x1xf32>
    %broadcast_in_dim3A_153 = vector.broadcast %reduce_max3A_152 : f32 to vector<16x1xf32>
    %select_n3A_154 = arith.select %eq3A_147, %broadcast_in_dim3A_153, %select_n3A_135 : vector<16x1xi1>, vector<16x1xf32>
    %slice3A_155 = vector.extract_strided_slice %reshape3A {offsets = [8, 0, 0], sizes = [1, 128, 512], strides = [1, 1, 1]} : vector<16x128x512xf32> to vector<1x128x512xf32>
    %squeeze3A_156 = vector.shape_cast %slice3A_155 : vector<1x128x512xf32> to vector<128x512xf32>
    %get3A_157 = arith.constant 0 : index
    %get3A_158 = arith.constant 8 : index
    %get3A_159 = arith.constant 0 : index
    %get3A_160 = vector.load %arg1[%get3A_157, %get3A_158, %get3A_159] : memref<128x16x512xf32, #tpu.memory_space<vmem>>, vector<128x1x512xf32>
    %get3A_161 = vector.shape_cast %get3A_160 : vector<128x1x512xf32> to vector<128x512xf32>
    %dot_general3A_162 = arith.constant dense<0.000000e+00> : vector<128x128xf32>
    %dot_general3A_163 = tpu.matmul %squeeze3A_156, %get3A_161, %dot_general3A_162 {dimension_numbers = #tpu.dot_dimension_numbers<[1], [1], [0], [0], [0, 0, 1, 0], [], []>, transpose_lhs_hint = false} : vector<128x512xf32>, vector<128x512xf32>, vector<128x128xf32> -> vector<128x128xf32>
    %eq3A_164 = arith.constant 8 : i32
    %eq3A_165 = vector.broadcast %eq3A_164 : i32 to vector<16x1xi32>
    %eq3A_166 = arith.cmpi eq, %iota3A, %eq3A_165 : vector<16x1xi32>
    %reduce_max3A_167 = vector.shape_cast %dot_general3A_163 : vector<128x128xf32> to vector<1x128x128xf32>
    %reduce_max3A_168 = arith.constant dense<0xFF800000> : vector<1xf32>
    %reduce_max3A_169 = vector.multi_reduction <maximumf>, %reduce_max3A_167, %reduce_max3A_168 [1, 2] : vector<1x128x128xf32> to vector<1xf32>
    %reduce_max3A_170 = vector.shape_cast %reduce_max3A_169 : vector<1xf32> to vector<1x1x1xf32>
    %reduce_max3A_171 = vector.extract %reduce_max3A_170[0, 0, 0] : f32 from vector<1x1x1xf32>
    %broadcast_in_dim3A_172 = vector.broadcast %reduce_max3A_171 : f32 to vector<16x1xf32>
    %select_n3A_173 = arith.select %eq3A_166, %broadcast_in_dim3A_172, %select_n3A_154 : vector<16x1xi1>, vector<16x1xf32>
    %slice3A_174 = vector.extract_strided_slice %reshape3A {offsets = [9, 0, 0], sizes = [1, 128, 512], strides = [1, 1, 1]} : vector<16x128x512xf32> to vector<1x128x512xf32>
    %squeeze3A_175 = vector.shape_cast %slice3A_174 : vector<1x128x512xf32> to vector<128x512xf32>
    %get3A_176 = arith.constant 0 : index
    %get3A_177 = arith.constant 9 : index
    %get3A_178 = arith.constant 0 : index
    %get3A_179 = vector.load %arg1[%get3A_176, %get3A_177, %get3A_178] : memref<128x16x512xf32, #tpu.memory_space<vmem>>, vector<128x1x512xf32>
    %get3A_180 = vector.shape_cast %get3A_179 : vector<128x1x512xf32> to vector<128x512xf32>
    %dot_general3A_181 = arith.constant dense<0.000000e+00> : vector<128x128xf32>
    %dot_general3A_182 = tpu.matmul %squeeze3A_175, %get3A_180, %dot_general3A_181 {dimension_numbers = #tpu.dot_dimension_numbers<[1], [1], [0], [0], [0, 0, 1, 0], [], []>, transpose_lhs_hint = false} : vector<128x512xf32>, vector<128x512xf32>, vector<128x128xf32> -> vector<128x128xf32>
    %eq3A_183 = arith.constant 9 : i32
    %eq3A_184 = vector.broadcast %eq3A_183 : i32 to vector<16x1xi32>
    %eq3A_185 = arith.cmpi eq, %iota3A, %eq3A_184 : vector<16x1xi32>
    %reduce_max3A_186 = vector.shape_cast %dot_general3A_182 : vector<128x128xf32> to vector<1x128x128xf32>
    %reduce_max3A_187 = arith.constant dense<0xFF800000> : vector<1xf32>
    %reduce_max3A_188 = vector.multi_reduction <maximumf>, %reduce_max3A_186, %reduce_max3A_187 [1, 2] : vector<1x128x128xf32> to vector<1xf32>
    %reduce_max3A_189 = vector.shape_cast %reduce_max3A_188 : vector<1xf32> to vector<1x1x1xf32>
    %reduce_max3A_190 = vector.extract %reduce_max3A_189[0, 0, 0] : f32 from vector<1x1x1xf32>
    %broadcast_in_dim3A_191 = vector.broadcast %reduce_max3A_190 : f32 to vector<16x1xf32>
    %select_n3A_192 = arith.select %eq3A_185, %broadcast_in_dim3A_191, %select_n3A_173 : vector<16x1xi1>, vector<16x1xf32>
    %slice3A_193 = vector.extract_strided_slice %reshape3A {offsets = [10, 0, 0], sizes = [1, 128, 512], strides = [1, 1, 1]} : vector<16x128x512xf32> to vector<1x128x512xf32>
    %squeeze3A_194 = vector.shape_cast %slice3A_193 : vector<1x128x512xf32> to vector<128x512xf32>
    %get3A_195 = arith.constant 0 : index
    %get3A_196 = arith.constant 10 : index
    %get3A_197 = arith.constant 0 : index
    %get3A_198 = vector.load %arg1[%get3A_195, %get3A_196, %get3A_197] : memref<128x16x512xf32, #tpu.memory_space<vmem>>, vector<128x1x512xf32>
    %get3A_199 = vector.shape_cast %get3A_198 : vector<128x1x512xf32> to vector<128x512xf32>
    %dot_general3A_200 = arith.constant dense<0.000000e+00> : vector<128x128xf32>
    %dot_general3A_201 = tpu.matmul %squeeze3A_194, %get3A_199, %dot_general3A_200 {dimension_numbers = #tpu.dot_dimension_numbers<[1], [1], [0], [0], [0, 0, 1, 0], [], []>, transpose_lhs_hint = false} : vector<128x512xf32>, vector<128x512xf32>, vector<128x128xf32> -> vector<128x128xf32>
    %eq3A_202 = arith.constant 10 : i32
    %eq3A_203 = vector.broadcast %eq3A_202 : i32 to vector<16x1xi32>
    %eq3A_204 = arith.cmpi eq, %iota3A, %eq3A_203 : vector<16x1xi32>
    %reduce_max3A_205 = vector.shape_cast %dot_general3A_201 : vector<128x128xf32> to vector<1x128x128xf32>
    %reduce_max3A_206 = arith.constant dense<0xFF800000> : vector<1xf32>
    %reduce_max3A_207 = vector.multi_reduction <maximumf>, %reduce_max3A_205, %reduce_max3A_206 [1, 2] : vector<1x128x128xf32> to vector<1xf32>
    %reduce_max3A_208 = vector.shape_cast %reduce_max3A_207 : vector<1xf32> to vector<1x1x1xf32>
    %reduce_max3A_209 = vector.extract %reduce_max3A_208[0, 0, 0] : f32 from vector<1x1x1xf32>
    %broadcast_in_dim3A_210 = vector.broadcast %reduce_max3A_209 : f32 to vector<16x1xf32>
    %select_n3A_211 = arith.select %eq3A_204, %broadcast_in_dim3A_210, %select_n3A_192 : vector<16x1xi1>, vector<16x1xf32>
    %slice3A_212 = vector.extract_strided_slice %reshape3A {offsets = [11, 0, 0], sizes = [1, 128, 512], strides = [1, 1, 1]} : vector<16x128x512xf32> to vector<1x128x512xf32>
    %squeeze3A_213 = vector.shape_cast %slice3A_212 : vector<1x128x512xf32> to vector<128x512xf32>
    %get3A_214 = arith.constant 0 : index
    %get3A_215 = arith.constant 11 : index
    %get3A_216 = arith.constant 0 : index
    %get3A_217 = vector.load %arg1[%get3A_214, %get3A_215, %get3A_216] : memref<128x16x512xf32, #tpu.memory_space<vmem>>, vector<128x1x512xf32>
    %get3A_218 = vector.shape_cast %get3A_217 : vector<128x1x512xf32> to vector<128x512xf32>
    %dot_general3A_219 = arith.constant dense<0.000000e+00> : vector<128x128xf32>
    %dot_general3A_220 = tpu.matmul %squeeze3A_213, %get3A_218, %dot_general3A_219 {dimension_numbers = #tpu.dot_dimension_numbers<[1], [1], [0], [0], [0, 0, 1, 0], [], []>, transpose_lhs_hint = false} : vector<128x512xf32>, vector<128x512xf32>, vector<128x128xf32> -> vector<128x128xf32>
    %eq3A_221 = arith.constant 11 : i32
    %eq3A_222 = vector.broadcast %eq3A_221 : i32 to vector<16x1xi32>
    %eq3A_223 = arith.cmpi eq, %iota3A, %eq3A_222 : vector<16x1xi32>
    %reduce_max3A_224 = vector.shape_cast %dot_general3A_220 : vector<128x128xf32> to vector<1x128x128xf32>
    %reduce_max3A_225 = arith.constant dense<0xFF800000> : vector<1xf32>
    %reduce_max3A_226 = vector.multi_reduction <maximumf>, %reduce_max3A_224, %reduce_max3A_225 [1, 2] : vector<1x128x128xf32> to vector<1xf32>
    %reduce_max3A_227 = vector.shape_cast %reduce_max3A_226 : vector<1xf32> to vector<1x1x1xf32>
    %reduce_max3A_228 = vector.extract %reduce_max3A_227[0, 0, 0] : f32 from vector<1x1x1xf32>
    %broadcast_in_dim3A_229 = vector.broadcast %reduce_max3A_228 : f32 to vector<16x1xf32>
    %select_n3A_230 = arith.select %eq3A_223, %broadcast_in_dim3A_229, %select_n3A_211 : vector<16x1xi1>, vector<16x1xf32>
    %slice3A_231 = vector.extract_strided_slice %reshape3A {offsets = [12, 0, 0], sizes = [1, 128, 512], strides = [1, 1, 1]} : vector<16x128x512xf32> to vector<1x128x512xf32>
    %squeeze3A_232 = vector.shape_cast %slice3A_231 : vector<1x128x512xf32> to vector<128x512xf32>
    %get3A_233 = arith.constant 0 : index
    %get3A_234 = arith.constant 12 : index
    %get3A_235 = arith.constant 0 : index
    %get3A_236 = vector.load %arg1[%get3A_233, %get3A_234, %get3A_235] : memref<128x16x512xf32, #tpu.memory_space<vmem>>, vector<128x1x512xf32>
    %get3A_237 = vector.shape_cast %get3A_236 : vector<128x1x512xf32> to vector<128x512xf32>
    %dot_general3A_238 = arith.constant dense<0.000000e+00> : vector<128x128xf32>
    %dot_general3A_239 = tpu.matmul %squeeze3A_232, %get3A_237, %dot_general3A_238 {dimension_numbers = #tpu.dot_dimension_numbers<[1], [1], [0], [0], [0, 0, 1, 0], [], []>, transpose_lhs_hint = false} : vector<128x512xf32>, vector<128x512xf32>, vector<128x128xf32> -> vector<128x128xf32>
    %eq3A_240 = arith.constant 12 : i32
    %eq3A_241 = vector.broadcast %eq3A_240 : i32 to vector<16x1xi32>
    %eq3A_242 = arith.cmpi eq, %iota3A, %eq3A_241 : vector<16x1xi32>
    %reduce_max3A_243 = vector.shape_cast %dot_general3A_239 : vector<128x128xf32> to vector<1x128x128xf32>
    %reduce_max3A_244 = arith.constant dense<0xFF800000> : vector<1xf32>
    %reduce_max3A_245 = vector.multi_reduction <maximumf>, %reduce_max3A_243, %reduce_max3A_244 [1, 2] : vector<1x128x128xf32> to vector<1xf32>
    %reduce_max3A_246 = vector.shape_cast %reduce_max3A_245 : vector<1xf32> to vector<1x1x1xf32>
    %reduce_max3A_247 = vector.extract %reduce_max3A_246[0, 0, 0] : f32 from vector<1x1x1xf32>
    %broadcast_in_dim3A_248 = vector.broadcast %reduce_max3A_247 : f32 to vector<16x1xf32>
    %select_n3A_249 = arith.select %eq3A_242, %broadcast_in_dim3A_248, %select_n3A_230 : vector<16x1xi1>, vector<16x1xf32>
    %slice3A_250 = vector.extract_strided_slice %reshape3A {offsets = [13, 0, 0], sizes = [1, 128, 512], strides = [1, 1, 1]} : vector<16x128x512xf32> to vector<1x128x512xf32>
    %squeeze3A_251 = vector.shape_cast %slice3A_250 : vector<1x128x512xf32> to vector<128x512xf32>
    %get3A_252 = arith.constant 0 : index
    %get3A_253 = arith.constant 13 : index
    %get3A_254 = arith.constant 0 : index
    %get3A_255 = vector.load %arg1[%get3A_252, %get3A_253, %get3A_254] : memref<128x16x512xf32, #tpu.memory_space<vmem>>, vector<128x1x512xf32>
    %get3A_256 = vector.shape_cast %get3A_255 : vector<128x1x512xf32> to vector<128x512xf32>
    %dot_general3A_257 = arith.constant dense<0.000000e+00> : vector<128x128xf32>
    %dot_general3A_258 = tpu.matmul %squeeze3A_251, %get3A_256, %dot_general3A_257 {dimension_numbers = #tpu.dot_dimension_numbers<[1], [1], [0], [0], [0, 0, 1, 0], [], []>, transpose_lhs_hint = false} : vector<128x512xf32>, vector<128x512xf32>, vector<128x128xf32> -> vector<128x128xf32>
    %eq3A_259 = arith.constant 13 : i32
    %eq3A_260 = vector.broadcast %eq3A_259 : i32 to vector<16x1xi32>
    %eq3A_261 = arith.cmpi eq, %iota3A, %eq3A_260 : vector<16x1xi32>
    %reduce_max3A_262 = vector.shape_cast %dot_general3A_258 : vector<128x128xf32> to vector<1x128x128xf32>
    %reduce_max3A_263 = arith.constant dense<0xFF800000> : vector<1xf32>
    %reduce_max3A_264 = vector.multi_reduction <maximumf>, %reduce_max3A_262, %reduce_max3A_263 [1, 2] : vector<1x128x128xf32> to vector<1xf32>
    %reduce_max3A_265 = vector.shape_cast %reduce_max3A_264 : vector<1xf32> to vector<1x1x1xf32>
    %reduce_max3A_266 = vector.extract %reduce_max3A_265[0, 0, 0] : f32 from vector<1x1x1xf32>
    %broadcast_in_dim3A_267 = vector.broadcast %reduce_max3A_266 : f32 to vector<16x1xf32>
    %select_n3A_268 = arith.select %eq3A_261, %broadcast_in_dim3A_267, %select_n3A_249 : vector<16x1xi1>, vector<16x1xf32>
    %slice3A_269 = vector.extract_strided_slice %reshape3A {offsets = [14, 0, 0], sizes = [1, 128, 512], strides = [1, 1, 1]} : vector<16x128x512xf32> to vector<1x128x512xf32>
    %squeeze3A_270 = vector.shape_cast %slice3A_269 : vector<1x128x512xf32> to vector<128x512xf32>
    %get3A_271 = arith.constant 0 : index
    %get3A_272 = arith.constant 14 : index
    %get3A_273 = arith.constant 0 : index
    %get3A_274 = vector.load %arg1[%get3A_271, %get3A_272, %get3A_273] : memref<128x16x512xf32, #tpu.memory_space<vmem>>, vector<128x1x512xf32>
    %get3A_275 = vector.shape_cast %get3A_274 : vector<128x1x512xf32> to vector<128x512xf32>
    %dot_general3A_276 = arith.constant dense<0.000000e+00> : vector<128x128xf32>
    %dot_general3A_277 = tpu.matmul %squeeze3A_270, %get3A_275, %dot_general3A_276 {dimension_numbers = #tpu.dot_dimension_numbers<[1], [1], [0], [0], [0, 0, 1, 0], [], []>, transpose_lhs_hint = false} : vector<128x512xf32>, vector<128x512xf32>, vector<128x128xf32> -> vector<128x128xf32>
    %eq3A_278 = arith.constant 14 : i32
    %eq3A_279 = vector.broadcast %eq3A_278 : i32 to vector<16x1xi32>
    %eq3A_280 = arith.cmpi eq, %iota3A, %eq3A_279 : vector<16x1xi32>
    %reduce_max3A_281 = vector.shape_cast %dot_general3A_277 : vector<128x128xf32> to vector<1x128x128xf32>
    %reduce_max3A_282 = arith.constant dense<0xFF800000> : vector<1xf32>
    %reduce_max3A_283 = vector.multi_reduction <maximumf>, %reduce_max3A_281, %reduce_max3A_282 [1, 2] : vector<1x128x128xf32> to vector<1xf32>
    %reduce_max3A_284 = vector.shape_cast %reduce_max3A_283 : vector<1xf32> to vector<1x1x1xf32>
    %reduce_max3A_285 = vector.extract %reduce_max3A_284[0, 0, 0] : f32 from vector<1x1x1xf32>
    %broadcast_in_dim3A_286 = vector.broadcast %reduce_max3A_285 : f32 to vector<16x1xf32>
    %select_n3A_287 = arith.select %eq3A_280, %broadcast_in_dim3A_286, %select_n3A_268 : vector<16x1xi1>, vector<16x1xf32>
    %slice3A_288 = vector.extract_strided_slice %reshape3A {offsets = [15, 0, 0], sizes = [1, 128, 512], strides = [1, 1, 1]} : vector<16x128x512xf32> to vector<1x128x512xf32>
    %squeeze3A_289 = vector.shape_cast %slice3A_288 : vector<1x128x512xf32> to vector<128x512xf32>
    %get3A_290 = arith.constant 0 : index
    %get3A_291 = arith.constant 15 : index
    %get3A_292 = arith.constant 0 : index
    %get3A_293 = vector.load %arg1[%get3A_290, %get3A_291, %get3A_292] : memref<128x16x512xf32, #tpu.memory_space<vmem>>, vector<128x1x512xf32>
    %get3A_294 = vector.shape_cast %get3A_293 : vector<128x1x512xf32> to vector<128x512xf32>
    %dot_general3A_295 = arith.constant dense<0.000000e+00> : vector<128x128xf32>
    %dot_general3A_296 = tpu.matmul %squeeze3A_289, %get3A_294, %dot_general3A_295 {dimension_numbers = #tpu.dot_dimension_numbers<[1], [1], [0], [0], [0, 0, 1, 0], [], []>, transpose_lhs_hint = false} : vector<128x512xf32>, vector<128x512xf32>, vector<128x128xf32> -> vector<128x128xf32>
    %eq3A_297 = arith.constant 15 : i32
    %eq3A_298 = vector.broadcast %eq3A_297 : i32 to vector<16x1xi32>
    %eq3A_299 = arith.cmpi eq, %iota3A, %eq3A_298 : vector<16x1xi32>
    %reduce_max3A_300 = vector.shape_cast %dot_general3A_296 : vector<128x128xf32> to vector<1x128x128xf32>
    %reduce_max3A_301 = arith.constant dense<0xFF800000> : vector<1xf32>
    %reduce_max3A_302 = vector.multi_reduction <maximumf>, %reduce_max3A_300, %reduce_max3A_301 [1, 2] : vector<1x128x128xf32> to vector<1xf32>
    %reduce_max3A_303 = vector.shape_cast %reduce_max3A_302 : vector<1xf32> to vector<1x1x1xf32>
    %reduce_max3A_304 = vector.extract %reduce_max3A_303[0, 0, 0] : f32 from vector<1x1x1xf32>
    %broadcast_in_dim3A_305 = vector.broadcast %reduce_max3A_304 : f32 to vector<16x1xf32>
    %select_n3A_306 = arith.select %eq3A_299, %broadcast_in_dim3A_305, %select_n3A_287 : vector<16x1xi1>, vector<16x1xf32>
    %mul3A = arith.constant 2 : i32
    %mul3A_307 = arith.muli %mul3A, %arg0 : i32
    %add3A = arith.constant 0 : i32
    %add3A_308 = arith.addi %mul3A_307, %add3A : i32
    %eq3A_309 = vector.broadcast %add3A_308 : i32 to vector<16x32xi32>
    %eq3A_310 = arith.cmpi eq, %iota3A_2, %eq3A_309 : vector<16x32xi32>
    %get3A_311 = arith.constant 0 : index
    %get3A_312 = arith.constant 0 : index
    %get3A_313 = vector.load %arg5[%get3A_311, %get3A_312] : memref<16x32xf32, #tpu.memory_space<vmem>>, vector<16x32xf32>
    %broadcast_in_dim3A_314 = vector.shape_cast %select_n3A_306 : vector<16x1xf32> to vector<16x1xf32>
    %broadcast_in_dim3A_315 = vector.broadcast %broadcast_in_dim3A_314 : vector<16x1xf32> to vector<16x32xf32>
    %select_n3A_316 = arith.select %eq3A_310, %broadcast_in_dim3A_315, %get3A_313 : vector<16x32xi1>, vector<16x32xf32>
    %swap3A = arith.constant 0 : index
    %swap3A_317 = arith.constant 0 : index
    %swap3A_318 = vector.load %arg5[%swap3A, %swap3A_317] : memref<16x32xf32, #tpu.memory_space<vmem>>, vector<16x32xf32>
    tpu.vector_store %arg5[%swap3A, %swap3A_317], %select_n3A_316 {strides = array<i32>} : memref<16x32xf32, #tpu.memory_space<vmem>>, vector<16x32xf32>,
    %get3A_319 = arith.constant 0 : index
    %get3A_320 = arith.constant 0 : index
    %get3A_321 = arith.constant 0 : index
    %get3A_322 = vector.load %arg3[%get3A_319, %get3A_320, %get3A_321] : memref<1x16x65536xf32, #tpu.memory_space<vmem>>, vector<1x16x65536xf32>
    %get3A_323 = vector.shape_cast %get3A_322 : vector<1x16x65536xf32> to vector<16x65536xf32>
    %reshape3A_324 = vector.shape_cast %get3A_323 : vector<16x65536xf32> to vector<16x128x512xf32>
    %broadcast_in_dim3A_325 = arith.constant 0xFF800000 : f32
    %broadcast_in_dim3A_326 = vector.broadcast %broadcast_in_dim3A_325 : f32 to vector<16x1xf32>
    %slice3A_327 = vector.extract_strided_slice %reshape3A_324 {offsets = [0, 0, 0], sizes = [1, 128, 512], strides = [1, 1, 1]} : vector<16x128x512xf32> to vector<1x128x512xf32>
    %squeeze3A_328 = vector.shape_cast %slice3A_327 : vector<1x128x512xf32> to vector<128x512xf32>
    %get3A_329 = arith.constant 0 : index
    %get3A_330 = arith.constant 0 : index
    %get3A_331 = arith.constant 0 : index
    %get3A_332 = vector.load %arg1[%get3A_329, %get3A_330, %get3A_331] : memref<128x16x512xf32, #tpu.memory_space<vmem>>, vector<128x1x512xf32>
    %get3A_333 = vector.shape_cast %get3A_332 : vector<128x1x512xf32> to vector<128x512xf32>
    %dot_general3A_334 = arith.constant dense<0.000000e+00> : vector<128x128xf32>
    %dot_general3A_335 = tpu.matmul %squeeze3A_328, %get3A_333, %dot_general3A_334 {dimension_numbers = #tpu.dot_dimension_numbers<[1], [1], [0], [0], [0, 0, 1, 0], [], []>, transpose_lhs_hint = false} : vector<128x512xf32>, vector<128x512xf32>, vector<128x128xf32> -> vector<128x128xf32>
    %eq3A_336 = arith.constant 0 : i32
    %eq3A_337 = vector.broadcast %eq3A_336 : i32 to vector<16x1xi32>
    %eq3A_338 = arith.cmpi eq, %iota3A, %eq3A_337 : vector<16x1xi32>
    %reduce_max3A_339 = vector.shape_cast %dot_general3A_335 : vector<128x128xf32> to vector<1x128x128xf32>
    %reduce_max3A_340 = arith.constant dense<0xFF800000> : vector<1xf32>
    %reduce_max3A_341 = vector.multi_reduction <maximumf>, %reduce_max3A_339, %reduce_max3A_340 [1, 2] : vector<1x128x128xf32> to vector<1xf32>
    %reduce_max3A_342 = vector.shape_cast %reduce_max3A_341 : vector<1xf32> to vector<1x1x1xf32>
    %reduce_max3A_343 = vector.extract %reduce_max3A_342[0, 0, 0] : f32 from vector<1x1x1xf32>
    %broadcast_in_dim3A_344 = vector.broadcast %reduce_max3A_343 : f32 to vector<16x1xf32>
    %select_n3A_345 = arith.select %eq3A_338, %broadcast_in_dim3A_344, %broadcast_in_dim3A_326 : vector<16x1xi1>, vector<16x1xf32>
    %slice3A_346 = vector.extract_strided_slice %reshape3A_324 {offsets = [1, 0, 0], sizes = [1, 128, 512], strides = [1, 1, 1]} : vector<16x128x512xf32> to vector<1x128x512xf32>
    %squeeze3A_347 = vector.shape_cast %slice3A_346 : vector<1x128x512xf32> to vector<128x512xf32>
    %get3A_348 = arith.constant 0 : index
    %get3A_349 = arith.constant 1 : index
    %get3A_350 = arith.constant 0 : index
    %get3A_351 = vector.load %arg1[%get3A_348, %get3A_349, %get3A_350] : memref<128x16x512xf32, #tpu.memory_space<vmem>>, vector<128x1x512xf32>
    %get3A_352 = vector.shape_cast %get3A_351 : vector<128x1x512xf32> to vector<128x512xf32>
    %dot_general3A_353 = arith.constant dense<0.000000e+00> : vector<128x128xf32>
    %dot_general3A_354 = tpu.matmul %squeeze3A_347, %get3A_352, %dot_general3A_353 {dimension_numbers = #tpu.dot_dimension_numbers<[1], [1], [0], [0], [0, 0, 1, 0], [], []>, transpose_lhs_hint = false} : vector<128x512xf32>, vector<128x512xf32>, vector<128x128xf32> -> vector<128x128xf32>
    %eq3A_355 = arith.constant 1 : i32
    %eq3A_356 = vector.broadcast %eq3A_355 : i32 to vector<16x1xi32>
    %eq3A_357 = arith.cmpi eq, %iota3A, %eq3A_356 : vector<16x1xi32>
    %reduce_max3A_358 = vector.shape_cast %dot_general3A_354 : vector<128x128xf32> to vector<1x128x128xf32>
    %reduce_max3A_359 = arith.constant dense<0xFF800000> : vector<1xf32>
    %reduce_max3A_360 = vector.multi_reduction <maximumf>, %reduce_max3A_358, %reduce_max3A_359 [1, 2] : vector<1x128x128xf32> to vector<1xf32>
    %reduce_max3A_361 = vector.shape_cast %reduce_max3A_360 : vector<1xf32> to vector<1x1x1xf32>
    %reduce_max3A_362 = vector.extract %reduce_max3A_361[0, 0, 0] : f32 from vector<1x1x1xf32>
    %broadcast_in_dim3A_363 = vector.broadcast %reduce_max3A_362 : f32 to vector<16x1xf32>
    %select_n3A_364 = arith.select %eq3A_357, %broadcast_in_dim3A_363, %select_n3A_345 : vector<16x1xi1>, vector<16x1xf32>
    %slice3A_365 = vector.extract_strided_slice %reshape3A_324 {offsets = [2, 0, 0], sizes = [1, 128, 512], strides = [1, 1, 1]} : vector<16x128x512xf32> to vector<1x128x512xf32>
    %squeeze3A_366 = vector.shape_cast %slice3A_365 : vector<1x128x512xf32> to vector<128x512xf32>
    %get3A_367 = arith.constant 0 : index
    %get3A_368 = arith.constant 2 : index
    %get3A_369 = arith.constant 0 : index
    %get3A_370 = vector.load %arg1[%get3A_367, %get3A_368, %get3A_369] : memref<128x16x512xf32, #tpu.memory_space<vmem>>, vector<128x1x512xf32>
    %get3A_371 = vector.shape_cast %get3A_370 : vector<128x1x512xf32> to vector<128x512xf32>
    %dot_general3A_372 = arith.constant dense<0.000000e+00> : vector<128x128xf32>
    %dot_general3A_373 = tpu.matmul %squeeze3A_366, %get3A_371, %dot_general3A_372 {dimension_numbers = #tpu.dot_dimension_numbers<[1], [1], [0], [0], [0, 0, 1, 0], [], []>, transpose_lhs_hint = false} : vector<128x512xf32>, vector<128x512xf32>, vector<128x128xf32> -> vector<128x128xf32>
    %eq3A_374 = arith.constant 2 : i32
    %eq3A_375 = vector.broadcast %eq3A_374 : i32 to vector<16x1xi32>
    %eq3A_376 = arith.cmpi eq, %iota3A, %eq3A_375 : vector<16x1xi32>
    %reduce_max3A_377 = vector.shape_cast %dot_general3A_373 : vector<128x128xf32> to vector<1x128x128xf32>
    %reduce_max3A_378 = arith.constant dense<0xFF800000> : vector<1xf32>
    %reduce_max3A_379 = vector.multi_reduction <maximumf>, %reduce_max3A_377, %reduce_max3A_378 [1, 2] : vector<1x128x128xf32> to vector<1xf32>
    %reduce_max3A_380 = vector.shape_cast %reduce_max3A_379 : vector<1xf32> to vector<1x1x1xf32>
    %reduce_max3A_381 = vector.extract %reduce_max3A_380[0, 0, 0] : f32 from vector<1x1x1xf32>
    %broadcast_in_dim3A_382 = vector.broadcast %reduce_max3A_381 : f32 to vector<16x1xf32>
    %select_n3A_383 = arith.select %eq3A_376, %broadcast_in_dim3A_382, %select_n3A_364 : vector<16x1xi1>, vector<16x1xf32>
    %slice3A_384 = vector.extract_strided_slice %reshape3A_324 {offsets = [3, 0, 0], sizes = [1, 128, 512], strides = [1, 1, 1]} : vector<16x128x512xf32> to vector<1x128x512xf32>
    %squeeze3A_385 = vector.shape_cast %slice3A_384 : vector<1x128x512xf32> to vector<128x512xf32>
    %get3A_386 = arith.constant 0 : index
    %get3A_387 = arith.constant 3 : index
    %get3A_388 = arith.constant 0 : index
    %get3A_389 = vector.load %arg1[%get3A_386, %get3A_387, %get3A_388] : memref<128x16x512xf32, #tpu.memory_space<vmem>>, vector<128x1x512xf32>
    %get3A_390 = vector.shape_cast %get3A_389 : vector<128x1x512xf32> to vector<128x512xf32>
    %dot_general3A_391 = arith.constant dense<0.000000e+00> : vector<128x128xf32>
    %dot_general3A_392 = tpu.matmul %squeeze3A_385, %get3A_390, %dot_general3A_391 {dimension_numbers = #tpu.dot_dimension_numbers<[1], [1], [0], [0], [0, 0, 1, 0], [], []>, transpose_lhs_hint = false} : vector<128x512xf32>, vector<128x512xf32>, vector<128x128xf32> -> vector<128x128xf32>
    %eq3A_393 = arith.constant 3 : i32
    %eq3A_394 = vector.broadcast %eq3A_393 : i32 to vector<16x1xi32>
    %eq3A_395 = arith.cmpi eq, %iota3A, %eq3A_394 : vector<16x1xi32>
    %reduce_max3A_396 = vector.shape_cast %dot_general3A_392 : vector<128x128xf32> to vector<1x128x128xf32>
    %reduce_max3A_397 = arith.constant dense<0xFF800000> : vector<1xf32>
    %reduce_max3A_398 = vector.multi_reduction <maximumf>, %reduce_max3A_396, %reduce_max3A_397 [1, 2] : vector<1x128x128xf32> to vector<1xf32>
    %reduce_max3A_399 = vector.shape_cast %reduce_max3A_398 : vector<1xf32> to vector<1x1x1xf32>
    %reduce_max3A_400 = vector.extract %reduce_max3A_399[0, 0, 0] : f32 from vector<1x1x1xf32>
    %broadcast_in_dim3A_401 = vector.broadcast %reduce_max3A_400 : f32 to vector<16x1xf32>
    %select_n3A_402 = arith.select %eq3A_395, %broadcast_in_dim3A_401, %select_n3A_383 : vector<16x1xi1>, vector<16x1xf32>
    %slice3A_403 = vector.extract_strided_slice %reshape3A_324 {offsets = [4, 0, 0], sizes = [1, 128, 512], strides = [1, 1, 1]} : vector<16x128x512xf32> to vector<1x128x512xf32>
    %squeeze3A_404 = vector.shape_cast %slice3A_403 : vector<1x128x512xf32> to vector<128x512xf32>
    %get3A_405 = arith.constant 0 : index
    %get3A_406 = arith.constant 4 : index
    %get3A_407 = arith.constant 0 : index
    %get3A_408 = vector.load %arg1[%get3A_405, %get3A_406, %get3A_407] : memref<128x16x512xf32, #tpu.memory_space<vmem>>, vector<128x1x512xf32>
    %get3A_409 = vector.shape_cast %get3A_408 : vector<128x1x512xf32> to vector<128x512xf32>
    %dot_general3A_410 = arith.constant dense<0.000000e+00> : vector<128x128xf32>
    %dot_general3A_411 = tpu.matmul %squeeze3A_404, %get3A_409, %dot_general3A_410 {dimension_numbers = #tpu.dot_dimension_numbers<[1], [1], [0], [0], [0, 0, 1, 0], [], []>, transpose_lhs_hint = false} : vector<128x512xf32>, vector<128x512xf32>, vector<128x128xf32> -> vector<128x128xf32>
    %eq3A_412 = arith.constant 4 : i32
    %eq3A_413 = vector.broadcast %eq3A_412 : i32 to vector<16x1xi32>
    %eq3A_414 = arith.cmpi eq, %iota3A, %eq3A_413 : vector<16x1xi32>
    %reduce_max3A_415 = vector.shape_cast %dot_general3A_411 : vector<128x128xf32> to vector<1x128x128xf32>
    %reduce_max3A_416 = arith.constant dense<0xFF800000> : vector<1xf32>
    %reduce_max3A_417 = vector.multi_reduction <maximumf>, %reduce_max3A_415, %reduce_max3A_416 [1, 2] : vector<1x128x128xf32> to vector<1xf32>
    %reduce_max3A_418 = vector.shape_cast %reduce_max3A_417 : vector<1xf32> to vector<1x1x1xf32>
    %reduce_max3A_419 = vector.extract %reduce_max3A_418[0, 0, 0] : f32 from vector<1x1x1xf32>
    %broadcast_in_dim3A_420 = vector.broadcast %reduce_max3A_419 : f32 to vector<16x1xf32>
    %select_n3A_421 = arith.select %eq3A_414, %broadcast_in_dim3A_420, %select_n3A_402 : vector<16x1xi1>, vector<16x1xf32>
    %slice3A_422 = vector.extract_strided_slice %reshape3A_324 {offsets = [5, 0, 0], sizes = [1, 128, 512], strides = [1, 1, 1]} : vector<16x128x512xf32> to vector<1x128x512xf32>
    %squeeze3A_423 = vector.shape_cast %slice3A_422 : vector<1x128x512xf32> to vector<128x512xf32>
    %get3A_424 = arith.constant 0 : index
    %get3A_425 = arith.constant 5 : index
    %get3A_426 = arith.constant 0 : index
    %get3A_427 = vector.load %arg1[%get3A_424, %get3A_425, %get3A_426] : memref<128x16x512xf32, #tpu.memory_space<vmem>>, vector<128x1x512xf32>
    %get3A_428 = vector.shape_cast %get3A_427 : vector<128x1x512xf32> to vector<128x512xf32>
    %dot_general3A_429 = arith.constant dense<0.000000e+00> : vector<128x128xf32>
    %dot_general3A_430 = tpu.matmul %squeeze3A_423, %get3A_428, %dot_general3A_429 {dimension_numbers = #tpu.dot_dimension_numbers<[1], [1], [0], [0], [0, 0, 1, 0], [], []>, transpose_lhs_hint = false} : vector<128x512xf32>, vector<128x512xf32>, vector<128x128xf32> -> vector<128x128xf32>
    %eq3A_431 = arith.constant 5 : i32
    %eq3A_432 = vector.broadcast %eq3A_431 : i32 to vector<16x1xi32>
    %eq3A_433 = arith.cmpi eq, %iota3A, %eq3A_432 : vector<16x1xi32>
    %reduce_max3A_434 = vector.shape_cast %dot_general3A_430 : vector<128x128xf32> to vector<1x128x128xf32>
    %reduce_max3A_435 = arith.constant dense<0xFF800000> : vector<1xf32>
    %reduce_max3A_436 = vector.multi_reduction <maximumf>, %reduce_max3A_434, %reduce_max3A_435 [1, 2] : vector<1x128x128xf32> to vector<1xf32>
    %reduce_max3A_437 = vector.shape_cast %reduce_max3A_436 : vector<1xf32> to vector<1x1x1xf32>
    %reduce_max3A_438 = vector.extract %reduce_max3A_437[0, 0, 0] : f32 from vector<1x1x1xf32>
    %broadcast_in_dim3A_439 = vector.broadcast %reduce_max3A_438 : f32 to vector<16x1xf32>
    %select_n3A_440 = arith.select %eq3A_433, %broadcast_in_dim3A_439, %select_n3A_421 : vector<16x1xi1>, vector<16x1xf32>
    %slice3A_441 = vector.extract_strided_slice %reshape3A_324 {offsets = [6, 0, 0], sizes = [1, 128, 512], strides = [1, 1, 1]} : vector<16x128x512xf32> to vector<1x128x512xf32>
    %squeeze3A_442 = vector.shape_cast %slice3A_441 : vector<1x128x512xf32> to vector<128x512xf32>
    %get3A_443 = arith.constant 0 : index
    %get3A_444 = arith.constant 6 : index
    %get3A_445 = arith.constant 0 : index
    %get3A_446 = vector.load %arg1[%get3A_443, %get3A_444, %get3A_445] : memref<128x16x512xf32, #tpu.memory_space<vmem>>, vector<128x1x512xf32>
    %get3A_447 = vector.shape_cast %get3A_446 : vector<128x1x512xf32> to vector<128x512xf32>
    %dot_general3A_448 = arith.constant dense<0.000000e+00> : vector<128x128xf32>
    %dot_general3A_449 = tpu.matmul %squeeze3A_442, %get3A_447, %dot_general3A_448 {dimension_numbers = #tpu.dot_dimension_numbers<[1], [1], [0], [0], [0, 0, 1, 0], [], []>, transpose_lhs_hint = false} : vector<128x512xf32>, vector<128x512xf32>, vector<128x128xf32> -> vector<128x128xf32>
    %eq3A_450 = arith.constant 6 : i32
    %eq3A_451 = vector.broadcast %eq3A_450 : i32 to vector<16x1xi32>
    %eq3A_452 = arith.cmpi eq, %iota3A, %eq3A_451 : vector<16x1xi32>
    %reduce_max3A_453 = vector.shape_cast %dot_general3A_449 : vector<128x128xf32> to vector<1x128x128xf32>
    %reduce_max3A_454 = arith.constant dense<0xFF800000> : vector<1xf32>
    %reduce_max3A_455 = vector.multi_reduction <maximumf>, %reduce_max3A_453, %reduce_max3A_454 [1, 2] : vector<1x128x128xf32> to vector<1xf32>
    %reduce_max3A_456 = vector.shape_cast %reduce_max3A_455 : vector<1xf32> to vector<1x1x1xf32>
    %reduce_max3A_457 = vector.extract %reduce_max3A_456[0, 0, 0] : f32 from vector<1x1x1xf32>
    %broadcast_in_dim3A_458 = vector.broadcast %reduce_max3A_457 : f32 to vector<16x1xf32>
    %select_n3A_459 = arith.select %eq3A_452, %broadcast_in_dim3A_458, %select_n3A_440 : vector<16x1xi1>, vector<16x1xf32>
    %slice3A_460 = vector.extract_strided_slice %reshape3A_324 {offsets = [7, 0, 0], sizes = [1, 128, 512], strides = [1, 1, 1]} : vector<16x128x512xf32> to vector<1x128x512xf32>
    %squeeze3A_461 = vector.shape_cast %slice3A_460 : vector<1x128x512xf32> to vector<128x512xf32>
    %get3A_462 = arith.constant 0 : index
    %get3A_463 = arith.constant 7 : index
    %get3A_464 = arith.constant 0 : index
    %get3A_465 = vector.load %arg1[%get3A_462, %get3A_463, %get3A_464] : memref<128x16x512xf32, #tpu.memory_space<vmem>>, vector<128x1x512xf32>
    %get3A_466 = vector.shape_cast %get3A_465 : vector<128x1x512xf32> to vector<128x512xf32>
    %dot_general3A_467 = arith.constant dense<0.000000e+00> : vector<128x128xf32>
    %dot_general3A_468 = tpu.matmul %squeeze3A_461, %get3A_466, %dot_general3A_467 {dimension_numbers = #tpu.dot_dimension_numbers<[1], [1], [0], [0], [0, 0, 1, 0], [], []>, transpose_lhs_hint = false} : vector<128x512xf32>, vector<128x512xf32>, vector<128x128xf32> -> vector<128x128xf32>
    %eq3A_469 = arith.constant 7 : i32
    %eq3A_470 = vector.broadcast %eq3A_469 : i32 to vector<16x1xi32>
    %eq3A_471 = arith.cmpi eq, %iota3A, %eq3A_470 : vector<16x1xi32>
    %reduce_max3A_472 = vector.shape_cast %dot_general3A_468 : vector<128x128xf32> to vector<1x128x128xf32>
    %reduce_max3A_473 = arith.constant dense<0xFF800000> : vector<1xf32>
    %reduce_max3A_474 = vector.multi_reduction <maximumf>, %reduce_max3A_472, %reduce_max3A_473 [1, 2] : vector<1x128x128xf32> to vector<1xf32>
    %reduce_max3A_475 = vector.shape_cast %reduce_max3A_474 : vector<1xf32> to vector<1x1x1xf32>
    %reduce_max3A_476 = vector.extract %reduce_max3A_475[0, 0, 0] : f32 from vector<1x1x1xf32>
    %broadcast_in_dim3A_477 = vector.broadcast %reduce_max3A_476 : f32 to vector<16x1xf32>
    %select_n3A_478 = arith.select %eq3A_471, %broadcast_in_dim3A_477, %select_n3A_459 : vector<16x1xi1>, vector<16x1xf32>
    %slice3A_479 = vector.extract_strided_slice %reshape3A_324 {offsets = [8, 0, 0], sizes = [1, 128, 512], strides = [1, 1, 1]} : vector<16x128x512xf32> to vector<1x128x512xf32>
    %squeeze3A_480 = vector.shape_cast %slice3A_479 : vector<1x128x512xf32> to vector<128x512xf32>
    %get3A_481 = arith.constant 0 : index
    %get3A_482 = arith.constant 8 : index
    %get3A_483 = arith.constant 0 : index
    %get3A_484 = vector.load %arg1[%get3A_481, %get3A_482, %get3A_483] : memref<128x16x512xf32, #tpu.memory_space<vmem>>, vector<128x1x512xf32>
    %get3A_485 = vector.shape_cast %get3A_484 : vector<128x1x512xf32> to vector<128x512xf32>
    %dot_general3A_486 = arith.constant dense<0.000000e+00> : vector<128x128xf32>
    %dot_general3A_487 = tpu.matmul %squeeze3A_480, %get3A_485, %dot_general3A_486 {dimension_numbers = #tpu.dot_dimension_numbers<[1], [1], [0], [0], [0, 0, 1, 0], [], []>, transpose_lhs_hint = false} : vector<128x512xf32>, vector<128x512xf32>, vector<128x128xf32> -> vector<128x128xf32>
    %eq3A_488 = arith.constant 8 : i32
    %eq3A_489 = vector.broadcast %eq3A_488 : i32 to vector<16x1xi32>
    %eq3A_490 = arith.cmpi eq, %iota3A, %eq3A_489 : vector<16x1xi32>
    %reduce_max3A_491 = vector.shape_cast %dot_general3A_487 : vector<128x128xf32> to vector<1x128x128xf32>
    %reduce_max3A_492 = arith.constant dense<0xFF800000> : vector<1xf32>
    %reduce_max3A_493 = vector.multi_reduction <maximumf>, %reduce_max3A_491, %reduce_max3A_492 [1, 2] : vector<1x128x128xf32> to vector<1xf32>
    %reduce_max3A_494 = vector.shape_cast %reduce_max3A_493 : vector<1xf32> to vector<1x1x1xf32>
    %reduce_max3A_495 = vector.extract %reduce_max3A_494[0, 0, 0] : f32 from vector<1x1x1xf32>
    %broadcast_in_dim3A_496 = vector.broadcast %reduce_max3A_495 : f32 to vector<16x1xf32>
    %select_n3A_497 = arith.select %eq3A_490, %broadcast_in_dim3A_496, %select_n3A_478 : vector<16x1xi1>, vector<16x1xf32>
    %slice3A_498 = vector.extract_strided_slice %reshape3A_324 {offsets = [9, 0, 0], sizes = [1, 128, 512], strides = [1, 1, 1]} : vector<16x128x512xf32> to vector<1x128x512xf32>
    %squeeze3A_499 = vector.shape_cast %slice3A_498 : vector<1x128x512xf32> to vector<128x512xf32>
    %get3A_500 = arith.constant 0 : index
    %get3A_501 = arith.constant 9 : index
    %get3A_502 = arith.constant 0 : index
    %get3A_503 = vector.load %arg1[%get3A_500, %get3A_501, %get3A_502] : memref<128x16x512xf32, #tpu.memory_space<vmem>>, vector<128x1x512xf32>
    %get3A_504 = vector.shape_cast %get3A_503 : vector<128x1x512xf32> to vector<128x512xf32>
    %dot_general3A_505 = arith.constant dense<0.000000e+00> : vector<128x128xf32>
    %dot_general3A_506 = tpu.matmul %squeeze3A_499, %get3A_504, %dot_general3A_505 {dimension_numbers = #tpu.dot_dimension_numbers<[1], [1], [0], [0], [0, 0, 1, 0], [], []>, transpose_lhs_hint = false} : vector<128x512xf32>, vector<128x512xf32>, vector<128x128xf32> -> vector<128x128xf32>
    %eq3A_507 = arith.constant 9 : i32
    %eq3A_508 = vector.broadcast %eq3A_507 : i32 to vector<16x1xi32>
    %eq3A_509 = arith.cmpi eq, %iota3A, %eq3A_508 : vector<16x1xi32>
    %reduce_max3A_510 = vector.shape_cast %dot_general3A_506 : vector<128x128xf32> to vector<1x128x128xf32>
    %reduce_max3A_511 = arith.constant dense<0xFF800000> : vector<1xf32>
    %reduce_max3A_512 = vector.multi_reduction <maximumf>, %reduce_max3A_510, %reduce_max3A_511 [1, 2] : vector<1x128x128xf32> to vector<1xf32>
    %reduce_max3A_513 = vector.shape_cast %reduce_max3A_512 : vector<1xf32> to vector<1x1x1xf32>
    %reduce_max3A_514 = vector.extract %reduce_max3A_513[0, 0, 0] : f32 from vector<1x1x1xf32>
    %broadcast_in_dim3A_515 = vector.broadcast %reduce_max3A_514 : f32 to vector<16x1xf32>
    %select_n3A_516 = arith.select %eq3A_509, %broadcast_in_dim3A_515, %select_n3A_497 : vector<16x1xi1>, vector<16x1xf32>
    %slice3A_517 = vector.extract_strided_slice %reshape3A_324 {offsets = [10, 0, 0], sizes = [1, 128, 512], strides = [1, 1, 1]} : vector<16x128x512xf32> to vector<1x128x512xf32>
    %squeeze3A_518 = vector.shape_cast %slice3A_517 : vector<1x128x512xf32> to vector<128x512xf32>
    %get3A_519 = arith.constant 0 : index
    %get3A_520 = arith.constant 10 : index
    %get3A_521 = arith.constant 0 : index
    %get3A_522 = vector.load %arg1[%get3A_519, %get3A_520, %get3A_521] : memref<128x16x512xf32, #tpu.memory_space<vmem>>, vector<128x1x512xf32>
    %get3A_523 = vector.shape_cast %get3A_522 : vector<128x1x512xf32> to vector<128x512xf32>
    %dot_general3A_524 = arith.constant dense<0.000000e+00> : vector<128x128xf32>
    %dot_general3A_525 = tpu.matmul %squeeze3A_518, %get3A_523, %dot_general3A_524 {dimension_numbers = #tpu.dot_dimension_numbers<[1], [1], [0], [0], [0, 0, 1, 0], [], []>, transpose_lhs_hint = false} : vector<128x512xf32>, vector<128x512xf32>, vector<128x128xf32> -> vector<128x128xf32>
    %eq3A_526 = arith.constant 10 : i32
    %eq3A_527 = vector.broadcast %eq3A_526 : i32 to vector<16x1xi32>
    %eq3A_528 = arith.cmpi eq, %iota3A, %eq3A_527 : vector<16x1xi32>
    %reduce_max3A_529 = vector.shape_cast %dot_general3A_525 : vector<128x128xf32> to vector<1x128x128xf32>
    %reduce_max3A_530 = arith.constant dense<0xFF800000> : vector<1xf32>
    %reduce_max3A_531 = vector.multi_reduction <maximumf>, %reduce_max3A_529, %reduce_max3A_530 [1, 2] : vector<1x128x128xf32> to vector<1xf32>
    %reduce_max3A_532 = vector.shape_cast %reduce_max3A_531 : vector<1xf32> to vector<1x1x1xf32>
    %reduce_max3A_533 = vector.extract %reduce_max3A_532[0, 0, 0] : f32 from vector<1x1x1xf32>
    %broadcast_in_dim3A_534 = vector.broadcast %reduce_max3A_533 : f32 to vector<16x1xf32>
    %select_n3A_535 = arith.select %eq3A_528, %broadcast_in_dim3A_534, %select_n3A_516 : vector<16x1xi1>, vector<16x1xf32>
    %slice3A_536 = vector.extract_strided_slice %reshape3A_324 {offsets = [11, 0, 0], sizes = [1, 128, 512], strides = [1, 1, 1]} : vector<16x128x512xf32> to vector<1x128x512xf32>
    %squeeze3A_537 = vector.shape_cast %slice3A_536 : vector<1x128x512xf32> to vector<128x512xf32>
    %get3A_538 = arith.constant 0 : index
    %get3A_539 = arith.constant 11 : index
    %get3A_540 = arith.constant 0 : index
    %get3A_541 = vector.load %arg1[%get3A_538, %get3A_539, %get3A_540] : memref<128x16x512xf32, #tpu.memory_space<vmem>>, vector<128x1x512xf32>
    %get3A_542 = vector.shape_cast %get3A_541 : vector<128x1x512xf32> to vector<128x512xf32>
    %dot_general3A_543 = arith.constant dense<0.000000e+00> : vector<128x128xf32>
    %dot_general3A_544 = tpu.matmul %squeeze3A_537, %get3A_542, %dot_general3A_543 {dimension_numbers = #tpu.dot_dimension_numbers<[1], [1], [0], [0], [0, 0, 1, 0], [], []>, transpose_lhs_hint = false} : vector<128x512xf32>, vector<128x512xf32>, vector<128x128xf32> -> vector<128x128xf32>
    %eq3A_545 = arith.constant 11 : i32
    %eq3A_546 = vector.broadcast %eq3A_545 : i32 to vector<16x1xi32>
    %eq3A_547 = arith.cmpi eq, %iota3A, %eq3A_546 : vector<16x1xi32>
    %reduce_max3A_548 = vector.shape_cast %dot_general3A_544 : vector<128x128xf32> to vector<1x128x128xf32>
    %reduce_max3A_549 = arith.constant dense<0xFF800000> : vector<1xf32>
    %reduce_max3A_550 = vector.multi_reduction <maximumf>, %reduce_max3A_548, %reduce_max3A_549 [1, 2] : vector<1x128x128xf32> to vector<1xf32>
    %reduce_max3A_551 = vector.shape_cast %reduce_max3A_550 : vector<1xf32> to vector<1x1x1xf32>
    %reduce_max3A_552 = vector.extract %reduce_max3A_551[0, 0, 0] : f32 from vector<1x1x1xf32>
    %broadcast_in_dim3A_553 = vector.broadcast %reduce_max3A_552 : f32 to vector<16x1xf32>
    %select_n3A_554 = arith.select %eq3A_547, %broadcast_in_dim3A_553, %select_n3A_535 : vector<16x1xi1>, vector<16x1xf32>
    %slice3A_555 = vector.extract_strided_slice %reshape3A_324 {offsets = [12, 0, 0], sizes = [1, 128, 512], strides = [1, 1, 1]} : vector<16x128x512xf32> to vector<1x128x512xf32>
    %squeeze3A_556 = vector.shape_cast %slice3A_555 : vector<1x128x512xf32> to vector<128x512xf32>
    %get3A_557 = arith.constant 0 : index
    %get3A_558 = arith.constant 12 : index
    %get3A_559 = arith.constant 0 : index
    %get3A_560 = vector.load %arg1[%get3A_557, %get3A_558, %get3A_559] : memref<128x16x512xf32, #tpu.memory_space<vmem>>, vector<128x1x512xf32>
    %get3A_561 = vector.shape_cast %get3A_560 : vector<128x1x512xf32> to vector<128x512xf32>
    %dot_general3A_562 = arith.constant dense<0.000000e+00> : vector<128x128xf32>
    %dot_general3A_563 = tpu.matmul %squeeze3A_556, %get3A_561, %dot_general3A_562 {dimension_numbers = #tpu.dot_dimension_numbers<[1], [1], [0], [0], [0, 0, 1, 0], [], []>, transpose_lhs_hint = false} : vector<128x512xf32>, vector<128x512xf32>, vector<128x128xf32> -> vector<128x128xf32>
    %eq3A_564 = arith.constant 12 : i32
    %eq3A_565 = vector.broadcast %eq3A_564 : i32 to vector<16x1xi32>
    %eq3A_566 = arith.cmpi eq, %iota3A, %eq3A_565 : vector<16x1xi32>
    %reduce_max3A_567 = vector.shape_cast %dot_general3A_563 : vector<128x128xf32> to vector<1x128x128xf32>
    %reduce_max3A_568 = arith.constant dense<0xFF800000> : vector<1xf32>
    %reduce_max3A_569 = vector.multi_reduction <maximumf>, %reduce_max3A_567, %reduce_max3A_568 [1, 2] : vector<1x128x128xf32> to vector<1xf32>
    %reduce_max3A_570 = vector.shape_cast %reduce_max3A_569 : vector<1xf32> to vector<1x1x1xf32>
    %reduce_max3A_571 = vector.extract %reduce_max3A_570[0, 0, 0] : f32 from vector<1x1x1xf32>
    %broadcast_in_dim3A_572 = vector.broadcast %reduce_max3A_571 : f32 to vector<16x1xf32>
    %select_n3A_573 = arith.select %eq3A_566, %broadcast_in_dim3A_572, %select_n3A_554 : vector<16x1xi1>, vector<16x1xf32>
    %slice3A_574 = vector.extract_strided_slice %reshape3A_324 {offsets = [13, 0, 0], sizes = [1, 128, 512], strides = [1, 1, 1]} : vector<16x128x512xf32> to vector<1x128x512xf32>
    %squeeze3A_575 = vector.shape_cast %slice3A_574 : vector<1x128x512xf32> to vector<128x512xf32>
    %get3A_576 = arith.constant 0 : index
    %get3A_577 = arith.constant 13 : index
    %get3A_578 = arith.constant 0 : index
    %get3A_579 = vector.load %arg1[%get3A_576, %get3A_577, %get3A_578] : memref<128x16x512xf32, #tpu.memory_space<vmem>>, vector<128x1x512xf32>
    %get3A_580 = vector.shape_cast %get3A_579 : vector<128x1x512xf32> to vector<128x512xf32>
    %dot_general3A_581 = arith.constant dense<0.000000e+00> : vector<128x128xf32>
    %dot_general3A_582 = tpu.matmul %squeeze3A_575, %get3A_580, %dot_general3A_581 {dimension_numbers = #tpu.dot_dimension_numbers<[1], [1], [0], [0], [0, 0, 1, 0], [], []>, transpose_lhs_hint = false} : vector<128x512xf32>, vector<128x512xf32>, vector<128x128xf32> -> vector<128x128xf32>
    %eq3A_583 = arith.constant 13 : i32
    %eq3A_584 = vector.broadcast %eq3A_583 : i32 to vector<16x1xi32>
    %eq3A_585 = arith.cmpi eq, %iota3A, %eq3A_584 : vector<16x1xi32>
    %reduce_max3A_586 = vector.shape_cast %dot_general3A_582 : vector<128x128xf32> to vector<1x128x128xf32>
    %reduce_max3A_587 = arith.constant dense<0xFF800000> : vector<1xf32>
    %reduce_max3A_588 = vector.multi_reduction <maximumf>, %reduce_max3A_586, %reduce_max3A_587 [1, 2] : vector<1x128x128xf32> to vector<1xf32>
    %reduce_max3A_589 = vector.shape_cast %reduce_max3A_588 : vector<1xf32> to vector<1x1x1xf32>
    %reduce_max3A_590 = vector.extract %reduce_max3A_589[0, 0, 0] : f32 from vector<1x1x1xf32>
    %broadcast_in_dim3A_591 = vector.broadcast %reduce_max3A_590 : f32 to vector<16x1xf32>
    %select_n3A_592 = arith.select %eq3A_585, %broadcast_in_dim3A_591, %select_n3A_573 : vector<16x1xi1>, vector<16x1xf32>
    %slice3A_593 = vector.extract_strided_slice %reshape3A_324 {offsets = [14, 0, 0], sizes = [1, 128, 512], strides = [1, 1, 1]} : vector<16x128x512xf32> to vector<1x128x512xf32>
    %squeeze3A_594 = vector.shape_cast %slice3A_593 : vector<1x128x512xf32> to vector<128x512xf32>
    %get3A_595 = arith.constant 0 : index
    %get3A_596 = arith.constant 14 : index
    %get3A_597 = arith.constant 0 : index
    %get3A_598 = vector.load %arg1[%get3A_595, %get3A_596, %get3A_597] : memref<128x16x512xf32, #tpu.memory_space<vmem>>, vector<128x1x512xf32>
    %get3A_599 = vector.shape_cast %get3A_598 : vector<128x1x512xf32> to vector<128x512xf32>
    %dot_general3A_600 = arith.constant dense<0.000000e+00> : vector<128x128xf32>
    %dot_general3A_601 = tpu.matmul %squeeze3A_594, %get3A_599, %dot_general3A_600 {dimension_numbers = #tpu.dot_dimension_numbers<[1], [1], [0], [0], [0, 0, 1, 0], [], []>, transpose_lhs_hint = false} : vector<128x512xf32>, vector<128x512xf32>, vector<128x128xf32> -> vector<128x128xf32>
    %eq3A_602 = arith.constant 14 : i32
    %eq3A_603 = vector.broadcast %eq3A_602 : i32 to vector<16x1xi32>
    %eq3A_604 = arith.cmpi eq, %iota3A, %eq3A_603 : vector<16x1xi32>
    %reduce_max3A_605 = vector.shape_cast %dot_general3A_601 : vector<128x128xf32> to vector<1x128x128xf32>
    %reduce_max3A_606 = arith.constant dense<0xFF800000> : vector<1xf32>
    %reduce_max3A_607 = vector.multi_reduction <maximumf>, %reduce_max3A_605, %reduce_max3A_606 [1, 2] : vector<1x128x128xf32> to vector<1xf32>
    %reduce_max3A_608 = vector.shape_cast %reduce_max3A_607 : vector<1xf32> to vector<1x1x1xf32>
    %reduce_max3A_609 = vector.extract %reduce_max3A_608[0, 0, 0] : f32 from vector<1x1x1xf32>
    %broadcast_in_dim3A_610 = vector.broadcast %reduce_max3A_609 : f32 to vector<16x1xf32>
    %select_n3A_611 = arith.select %eq3A_604, %broadcast_in_dim3A_610, %select_n3A_592 : vector<16x1xi1>, vector<16x1xf32>
    %slice3A_612 = vector.extract_strided_slice %reshape3A_324 {offsets = [15, 0, 0], sizes = [1, 128, 512], strides = [1, 1, 1]} : vector<16x128x512xf32> to vector<1x128x512xf32>
    %squeeze3A_613 = vector.shape_cast %slice3A_612 : vector<1x128x512xf32> to vector<128x512xf32>
    %get3A_614 = arith.constant 0 : index
    %get3A_615 = arith.constant 15 : index
    %get3A_616 = arith.constant 0 : index
    %get3A_617 = vector.load %arg1[%get3A_614, %get3A_615, %get3A_616] : memref<128x16x512xf32, #tpu.memory_space<vmem>>, vector<128x1x512xf32>
    %get3A_618 = vector.shape_cast %get3A_617 : vector<128x1x512xf32> to vector<128x512xf32>
    %dot_general3A_619 = arith.constant dense<0.000000e+00> : vector<128x128xf32>
    %dot_general3A_620 = tpu.matmul %squeeze3A_613, %get3A_618, %dot_general3A_619 {dimension_numbers = #tpu.dot_dimension_numbers<[1], [1], [0], [0], [0, 0, 1, 0], [], []>, transpose_lhs_hint = false} : vector<128x512xf32>, vector<128x512xf32>, vector<128x128xf32> -> vector<128x128xf32>
    %eq3A_621 = arith.constant 15 : i32
    %eq3A_622 = vector.broadcast %eq3A_621 : i32 to vector<16x1xi32>
    %eq3A_623 = arith.cmpi eq, %iota3A, %eq3A_622 : vector<16x1xi32>
    %reduce_max3A_624 = vector.shape_cast %dot_general3A_620 : vector<128x128xf32> to vector<1x128x128xf32>
    %reduce_max3A_625 = arith.constant dense<0xFF800000> : vector<1xf32>
    %reduce_max3A_626 = vector.multi_reduction <maximumf>, %reduce_max3A_624, %reduce_max3A_625 [1, 2] : vector<1x128x128xf32> to vector<1xf32>
    %reduce_max3A_627 = vector.shape_cast %reduce_max3A_626 : vector<1xf32> to vector<1x1x1xf32>
    %reduce_max3A_628 = vector.extract %reduce_max3A_627[0, 0, 0] : f32 from vector<1x1x1xf32>
    %broadcast_in_dim3A_629 = vector.broadcast %reduce_max3A_628 : f32 to vector<16x1xf32>
    %select_n3A_630 = arith.select %eq3A_623, %broadcast_in_dim3A_629, %select_n3A_611 : vector<16x1xi1>, vector<16x1xf32>
    %mul3A_631 = arith.constant 2 : i32
    %mul3A_632 = arith.muli %mul3A_631, %arg0 : i32
    %add3A_633 = arith.constant 1 : i32
    %add3A_634 = arith.addi %mul3A_632, %add3A_633 : i32
    %eq3A_635 = vector.broadcast %add3A_634 : i32 to vector<16x32xi32>
    %eq3A_636 = arith.cmpi eq, %iota3A_2, %eq3A_635 : vector<16x32xi32>
    %get3A_637 = arith.constant 0 : index
    %get3A_638 = arith.constant 0 : index
    %get3A_639 = vector.load %arg5[%get3A_637, %get3A_638] : memref<16x32xf32, #tpu.memory_space<vmem>>, vector<16x32xf32>
    %broadcast_in_dim3A_640 = vector.shape_cast %select_n3A_630 : vector<16x1xf32> to vector<16x1xf32>
    %broadcast_in_dim3A_641 = vector.broadcast %broadcast_in_dim3A_640 : vector<16x1xf32> to vector<16x32xf32>
    %select_n3A_642 = arith.select %eq3A_636, %broadcast_in_dim3A_641, %get3A_639 : vector<16x32xi1>, vector<16x32xf32>
    %swap3A_643 = arith.constant 0 : index
    %swap3A_644 = arith.constant 0 : index
    %swap3A_645 = vector.load %arg5[%swap3A_643, %swap3A_644] : memref<16x32xf32, #tpu.memory_space<vmem>>, vector<16x32xf32>
    tpu.vector_store %arg5[%swap3A_643, %swap3A_644], %select_n3A_642 {strides = array<i32>} : memref<16x32xf32, #tpu.memory_space<vmem>>, vector<16x32xf32>,
    %eq3A_646 = arith.constant 9 : i32
    %eq3A_647 = arith.cmpi eq, %arg0, %eq3A_646 : i32
    %convert_element_type3A_648 = arith.extui %eq3A_647 : i1 to i32
    %cond3A_649 = arith.constant 0 : i32
    %cond3A_650 = arith.cmpi ne, %convert_element_type3A_648, %cond3A_649 : i32
    scf.if %cond3A_650 {
      %get3A_651 = arith.constant 0 : index
      %get3A_652 = arith.constant 0 : index
      %get3A_653 = vector.load %arg5[%get3A_651, %get3A_652] : memref<16x32xf32, #tpu.memory_space<vmem>>, vector<16x20xf32>
      %reshape3A_654 = vector.shape_cast %get3A_653 : vector<16x20xf32> to vector<16x1x20xf32>
      %swap3A_655 = arith.constant 0 : index
      %swap3A_656 = arith.constant 0 : index
      %swap3A_657 = arith.constant 0 : index
      %swap3A_658 = vector.load %arg4[%swap3A_655, %swap3A_656, %swap3A_657] : memref<16x1x20xf32, #tpu.memory_space<vmem>>, vector<16x1x20xf32>
      tpu.vector_store %arg4[%swap3A_655, %swap3A_656, %swap3A_657], %reshape3A_654 {strides = array<i32>} : memref<16x1x20xf32, #tpu.memory_space<vmem>>, vector<16x1x20xf32>,
    } else {
    }
    return
  }
  func.func @transform_0(%arg0: i32) -> (i32, i32, i32) {
    %c0_i32 = arith.constant 0 : i32
    %c0_i32_0 = arith.constant 0 : i32
    %c0_i32_1 = arith.constant 0 : i32
    %c0_i32_2 = arith.constant 0 : i32
    return %c0_i32, %c0_i32_0, %c0_i32_1 : i32, i32, i32
  }
  func.func @transform_1(%arg0: i32) -> (i32, i32, i32) {
    %mul3A = arith.constant 2 : i32
    %mul3A_0 = arith.muli %mul3A, %arg0 : i32
    %c0_i32 = arith.constant 0 : i32
    %c0_i32_1 = arith.constant 0 : i32
    %c0_i32_2 = arith.constant 0 : i32
    return %mul3A_0, %c0_i32, %c0_i32_1 : i32, i32, i32
  }
  func.func @transform_2(%arg0: i32) -> (i32, i32, i32) {
    %mul3A = arith.constant 2 : i32
    %mul3A_0 = arith.muli %mul3A, %arg0 : i32
    %add3A = arith.constant 1 : i32
    %add3A_1 = arith.addi %mul3A_0, %add3A : i32
    %c0_i32 = arith.constant 0 : i32
    %c0_i32_2 = arith.constant 0 : i32
    %c0_i32_3 = arith.constant 0 : i32
    return %add3A_1, %c0_i32, %c0_i32_2 : i32, i32, i32
  }
  func.func @transform_3(%arg0: i32) -> (i32, i32, i32) {
    %c0_i32 = arith.constant 0 : i32
    %c0_i32_0 = arith.constant 0 : i32
    %c0_i32_1 = arith.constant 0 : i32
    %c0_i32_2 = arith.constant 0 : i32
    return %c0_i32, %c0_i32_0, %c0_i32_1 : i32, i32, i32
  }
  func.func @transform_4(%arg0: i32) -> (i32, i32) {
    %c0_i32 = arith.constant 0 : i32
    %c0_i32_0 = arith.constant 0 : i32
    %c0_i32_1 = arith.constant 0 : i32
    return %c0_i32, %c0_i32_0 : i32, i32
  }
}

</mosaic_0001>

<sc_bundles>
// kernel: kernel.4.cloned.1.call-start
scs
__scs_entry_jumppad:
0x0: {  	(pc) =	sbr.rel $0x88, $3  }
0x1: {  	(tag) =	ssettag $0x0;
	lr =	simm.s32 $0x1  }
0x2: {  	[smem:$0x3F9F] =	sst lr;
	_ =	strace $0xD0000000  }
0x3: {  	_ = 	snop  }
0x4: {  	_ = 	snop  }
0x5: {  	_ = 	snop  }
0x6: {  	_ = 	snop  }
0x7: {  	_ = 	snop  }
__scs_overlays_trampoline_lowered:
0x8: {  	[smem:$0x3FAE] =	sst s0  }
0x9: {  	[smem:$0x3FAF] =	sst s1  }
0xa: {  	[smem:$0x3FB0] =	sst s2  }
0xb: {  	[smem:$0x3FB1] =	sst s3  }
0xc: {  	[smem:$0x3FB2] =	sst s4  }
0xd: {  	[smem:$0x3FB3] =	sst s5  }
0xe: {  	[smem:$0x3FB4] =	sst s6  }
0xf: {  	[smem:$0x3FB5] =	sst s7  }
0x10: {  	[smem:$0x3FB6] =	sst s8  }
0x11: {  	[smem:$0x3FB7] =	sst s9;
	s0 =	simm.s32 @!p0 $0x0  }
0x12: {  	s1 =	sld [smem:$0x3F9D];
	s0 =	simm.s32 @p0 $0x1  }
0x13: {  	[smem:$0x3FB8] =	sst s0;
	s0 =	simm.s32 @!p1 $0x0  }
0x14: {  	s2 =	sld [smem:$0x3F9C];
	s0 =	simm.s32 @p1 $0x1  }
0x15: {  	[smem:$0x3FB9] =	sst s0;
	s0 =	simm.s32 @!p2 $0x0  }
0x16: {  	s3 =	sld [smem:$0x3FDB];
	s0 =	simm.s32 @p2 $0x1  }
0x17: {  	s4 =	simm.s32 $0x1BF5;
	[smem:$0x3FBB] =	sst s0  }
0x18: {  	s0 =	sld [smem:$0x3F9E];
	_ =	swait.ge [sflag:s4], $0x0  }
0x19: {  	s7 =	sld [smem:$0x3F9F]  }
0x1a: {  	s8 =	sadd.s32 $0xFFFFE003, lr  }
0x1b: {  	s9 =	sadd.s32 $0xFFFFFEF7, lr;
	s5 =	simm.s32 $0xFFFFFFFF;
	p2 =	slt.u32 s8, $0xFFFFF086  }
0x1c: {  	p1 =	slt.u32 s9, $0xF7A;
	s5 =	simm.s32 @!p2 $0x0  }
0x1d: {  	s5 =	simm.s32 @p1 $0x1;
	p0 =	seq.s32 s7, s2  }
0x1e: {  	s7 =	smul.u32 @!p0 $0xF7A, s2;
	p2 =	seq.s32 @!p0 s5, $0x0  }
0x1f: {  	s9 =	smul.u32 $0xF7A, s1;
	s8 =	simm.s32 @!p0 $0x1BF5;
	p2 =	por !p2, p0  }
0x20: {  	[sflag:s8] =	ssyncset.s32 @!p0 $0xFFFFF086;
	s6 =	sadd.s32 @!p0 s3, s7;
	s7 =	simm.s32 @!p0 $0x108  }
0x21: {  	s3 =	sadd.s32 s3, s9;
	s6 =	sadd.s32 @!p0 $0x88, s6;
	s7 =	simm.s32 @p2 $0x1082  }
0x22: {  	[simem:s7], [sflag:s8] =	dma.local @!p0 [hbm:s6], $0xF7A  }
0x23: {  	s9 =	sor.u32 $0xD0000000, s2;
	s6 =	simm.s32 $0x108;
	_ =	swait.ge @!p0 [sflag:s8], $0x0  }
0x24: {  	s3 =	sadd.s32 $0x88, s3;
	s6 =	simm.s32 @!p1 $0x1082;
	[sflag:s4] =	ssyncset.s32 $0xFFFFF086  }
0x25: {  	[simem:s6], [sflag:s4] =	dma.local [hbm:s3], $0xF7A  }
0x26: {  	[smem:$0x3F9F] =	sst s1;
	(tag) =	ssettag s2;
	_ =	strace s9  }
0x27: {  	s1 =	sld [smem:$0x3FAF]  }
0x28: {  	s2 =	sld [smem:$0x3FB0]  }
0x29: {  	s4 =	sld [smem:$0x3FB2]  }
0x2a: {  	p0 =	seq.s32 s5, $0x0;
	s5 =	sld [smem:$0x3FB3]  }
0x2b: {  	s6 =	sld [smem:$0x3FB4]  }
0x2c: {  	s7 =	sld [smem:$0x3FB5]  }
0x2d: {  	s3 =	simm.s32 $0x108;
	s8 =	sld [smem:$0x3FB6]  }
0x2e: {  	s3 =	simm.s32 @!p0 $0x1082;
	s9 =	sld [smem:$0x3FB7]  }
0x2f: {  	lr =	sadd.s32 s0, s3;
	s0 =	sld [smem:$0x3FAE]  }
0x30: {  	s3 =	sld [smem:$0x3FB1]  }
0x31: {  	[smem:$0x3FBA] =	sst s10  }
0x32: {  	s10 =	sld [smem:$0x3FB8];
	_ =	sdelay $0x3  }
0x33: {  	p0 =	seq.s32 s10, $0x1;
	s10 =	sld [smem:$0x3FBA];
	_ =	sdelay $0x3  }
0x34: {  	[smem:$0x3FBA] =	sst s10  }
0x35: {  	s10 =	sld [smem:$0x3FB9];
	_ =	sdelay $0x3  }
0x36: {  	p1 =	seq.s32 s10, $0x1;
	s10 =	sld [smem:$0x3FBA];
	_ =	sdelay $0x3  }
0x37: {  	[smem:$0x3FBA] =	sst s10  }
0x38: {  	s10 =	sld [smem:$0x3FBB]  }
0x39: {  	_ = 	snop;
	(pc) =	sbr.ind lr, $3  }
0x3a: {  	_ = 	snop  }
0x3b: {  	_ = 	snop  }
0x3c: {  	p2 =	seq.s32 s10, $0x1;
	s10 =	sld [smem:$0x3FBA]  }
0x3d: {  	_ =	shalt  }
0x3e: {  	_ =	shalt  }
0x3f: {  	_ =	shalt  }
0x40: {  	_ =	shalt  }
0x41: {  	_ =	shalt  }
0x42: {  	_ =	shalt  }
0x43: {  	_ =	shalt  }
0x44: {  	_ =	shalt  }
0x45: {  	_ =	shalt  }
0x46: {  	_ =	shalt  }
0x47: {  	_ =	shalt  }
0x48: {  	_ =	shalt  }
0x49: {  	_ =	shalt  }
0x4a: {  	_ =	shalt  }
0x4b: {  	_ =	shalt  }
0x4c: {  	_ =	shalt  }
0x4d: {  	_ =	shalt  }
0x4e: {  	_ =	shalt  }
0x4f: {  	_ =	shalt  }
0x50: {  	_ =	shalt  }
0x51: {  	_ =	shalt  }
0x52: {  	_ =	shalt  }
0x53: {  	_ =	shalt  }
0x54: {  	_ =	shalt  }
0x55: {  	_ =	shalt  }
0x56: {  	_ =	shalt  }
0x57: {  	_ =	shalt  }
0x58: {  	_ =	shalt  }
0x59: {  	_ =	shalt  }
0x5a: {  	_ =	shalt  }
0x5b: {  	_ =	shalt  }
0x5c: {  	_ =	shalt  }
0x5d: {  	_ =	shalt  }
0x5e: {  	_ =	shalt  }
0x5f: {  	_ =	shalt  }
0x60: {  	_ =	shalt  }
0x61: {  	_ =	shalt  }
0x62: {  	_ =	shalt  }
0x63: {  	_ =	shalt  }
0x64: {  	_ =	shalt  }
0x65: {  	_ =	shalt  }
0x66: {  	_ =	shalt  }
0x67: {  	_ =	shalt  }
0x68: {  	_ =	shalt  }
0x69: {  	_ =	shalt  }
0x6a: {  	_ =	shalt  }
0x6b: {  	_ =	shalt  }
0x6c: {  	_ =	shalt  }
0x6d: {  	_ =	shalt  }
0x6e: {  	_ =	shalt  }
0x6f: {  	_ =	shalt  }
0x70: {  	_ =	shalt  }
0x71: {  	_ =	shalt  }
0x72: {  	_ =	shalt  }
0x73: {  	_ =	shalt  }
0x74: {  	_ =	shalt  }
0x75: {  	_ =	shalt  }
0x76: {  	_ =	shalt  }
0x77: {  	_ =	shalt  }
0x78: {  	_ =	shalt  }
0x79: {  	_ =	shalt  }
0x7a: {  	_ =	shalt  }
0x7b: {  	_ =	shalt  }
0x7c: {  	_ =	shalt  }
0x7d: {  	_ =	shalt  }
0x7e: {  	_ =	shalt  }
0x7f: {  	_ =	shalt  }
0x80: {  	_ =	shalt  }
0x81: {  	_ =	shalt  }
0x82: {  	_ =	shalt  }
0x83: {  	_ =	shalt  }
0x84: {  	_ =	shalt  }
0x85: {  	_ =	shalt  }
0x86: {  	_ =	shalt  }
0x87: {  	_ =	shalt  }
.Lfunc_end0:
.L_simem_size_0:
called_computation_lowered:
.L_overlay_start_0:
0x88: {  	s2 =	sld [smem:$0x3FD9]  }
0x89: {  	s3 =	sld [smem:$0x3FFE];
	_ =	sdelay $0x1  }
0x8a: {  	s1 =	srdreg.scid  }
0x8b: {  	s0 =	sand.u32 $0x1, s1  }
0x8c: {  	s16 =	sshll.u32 s0, $0xA;
	s2 =	sadd.s32 s3, s2  }
0x8d: {  	s2 =	sadd.s32 s2, s16  }
0x8e: {  	[smem:$0x3FC6] =	sst s2  }
0x8f: {  	_ = 	snop  }
0x90: {  	(tm) =	ssettm $0x1  }
0x91: {  	s17 =	sld [smem:$0x3FFB];
	_ =	sdelay $0x3  }
0x92: {  	_ =	strace s17  }
0x93: {  	s2 =	sld [smem:$0x3FFC];
	_ =	sdelay $0x3  }
0x94: {  	_ =	strace s2  }
0x95: {  	s2 =	sld [smem:$0x3FFD];
	_ =	sdelay $0x3  }
0x96: {  	_ =	strace s2  }
0x97: {  	_ =	strace $0x8FFFFFFF  }
0x98: {  	s18 =	sld [smem:$0x3FDB];
	_ =	sdelay $0x1  }
0x99: {  	s19 =	simm.s32 $_scs_section_size  }
0x9a: {  	s4 =	simm.s32 $_size__tile_overlayer_lowered;
	s5 =	simm.s32 $_tile_overlayer_lowered  }
0x9b: {  	s22 =	simm.s32 $0x1BFF;
	s21 =	sshll.u32 s5, $0x1;
	s2 =	sadd.s32 s19, s18  }
0x9c: {  	s6 =	simm.s32 $0x0;
	s20 =	sshll.u32 s4, $0x1;
	s4 =	sadd.s32 s21, s2  }
0x9d: {  	[timem:s6], [sflag:s22] =	dma.local [hbm:s4], s20  }
0x9e: {  	_ =	swait.ge [sflag:s22], s20  }
0x9f: {  	s3 =	ssub.s32 $0x0, s20;
	[sflag:s22] =	ssyncset.done $0x0  }
0xa0: {  	[sflag:s22] =	ssyncadd.s32 s3;
	_ =	sdelay $0x1  }
0xa1: {  	s23 =	simm.s32 $0x1B8B  }
0xa2: {  	_ =	swait.ge [sflag:s23], $0x1  }
0xa3: {  	[sflag:s23] =	ssyncset.done $0x0  }
0xa4: {  	s25 =	simm.s32 $0x1B8E;
	s24 =	sld [smem:$0x3FFE];
	[sflag:s23] =	ssyncadd.s32 $0xFFFFFFFF  }
0xa5: {  	s26 =	simm.s32 $execute0_lowered;
	[smem:$0x3FD2] =	sst s25  }
0xa6: {  	s4 =	sshll.u32 s26, $0x1;
	_ =	strace $0x80000046;
	[dreg:$0x1] =	wrdreg $0xFFFFFFFF  }
0xa7: {  	s28 =	simm.s32 $_size_execute0_lowered;
	s2 =	sadd.s32 s2, s4;
	[dreg:$0x0] =	wrdreg $0x0  }
0xa8: {  	s4 =	sshll.u32 s28, $0x1;
	[dreg:$0x2] =	wrdreg s2  }
0xa9: {  	[dreg:$0x3] =	wrdreg s4  }
0xaa: {  	[dreg:$0x4] =	wrdreg $0xC0  }
0xab: {  	_ =	task [dreg:s6], $0x5FFFF  }
0xac: {  	[dreg:$0x1] =	wrdreg $0xFFFFFFFF  }
0xad: {  	[dreg:$0x0] =	wrdreg $0x60  }
0xae: {  	[dreg:$0x2] =	wrdreg s24  }
0xaf: {  	[dreg:$0x3] =	wrdreg $0x9  }
0xb0: {  	_ =	task.clear_ibuf [dreg:s6], $0x4FFFF;
	_ =	strace $0x90000046  }
0xb1: {  	s29 =	simm.s32 $0x9;
	_ =	strace $0x80000048  }
0xb2: {  	_ =	swait.ge [sflag:s29], $0x1  }
0xb3: {  	[sflag:s29] =	ssyncadd.s32 $0xFFFFFFFF  }
0xb4: {  	_ =	strace $0x90000048  }
0xb5: {  	_ =	sfence  }
0xb6: {  	s30 =	sld [smem:$0x0];
	_ =	sdelay $0x2  }
0xb7: {  	s31 =	sshll.u32 s1, $0xD;
	s1 =	sshrl.u32 s1, $0x2  }
0xb8: {  	s3 =	sand.u32 $0x4000, s31;
	s1 =	sadd.s32 s1, s30  }
0xb9: {  	s0 =	sor.u32 s3, s0;
	s1 =	sshll.u32 s1, $0x11  }
0xba: {  	s0 =	sor.u32 s1, s0  }
0xbb: {  	s0 =	sadd.s32 $0x8F2B, s0  }
0xbc: {  	[sflag:s0] =	ssyncadd.remote.s32 $0x1  }
0xbd: {  	_ =	sfence.sel $0xFFFF  }
0xbe: {  	[dreg:$0x0] =	wrdreg $0xFFFFFFFF;
	(pc) =	sbr.abs _section_cstart, $3  }
0xbf: {  	[dreg:$0x1] =	wrdreg $0xFFFFFFFF  }
0xc0: {  	_ =	task.clear_ibuf [dreg:s6], $0x2FFFF;
	_ =	strace $0x9FFFFFFF  }
0xc1: {  	(tm) =	ssettm $0x7FFFFFFF  }
tec
execute0_lowered:
.L_overlay_start_1:
0x0: {  	(tag) =	ssettag $0x1  }
0x1: {  	s1 =	stileid.u32  }
0x2: {  	p0 =	sgt.u32 s1, $0x7  }
.Ltmp0:
0x3: {  	_ = 	snop;
	(pc) =	sbr.rel @p0 .LBB2_4-.Ltmp0, $4  }
0x4: {  	_ = 	snop  }
0x5: {  	s5 =	rddreg [dreg:$0x0];
	s2 =	simm.s32 $0x0  }
0x6: {  	[smem:$0x7FF] =	sst s2  }
0x7: {  	s0 =	rddreg [dreg:$0x1];
	_ =	strace $0x80000047  }
0x8: {  	s3 =	srdreg.scid  }
0x9: {  	s7 =	sand.u32 $0x1, s3  }
0xa: {  	s28 =	sshll.u32 s1, $0x5;
	s4 =	sshll.u32 s7, $0x4  }
0xb: {  	s8 =	sadd.s32 $0xA00, s5;
	s6 =	sor.u32 s4, s28  }
0xc: {  	s3 =	simm.s32 $0x1;
	s4 =	sadd.s32 s8, s6  }
0xd: {  	[tilespmem:s2], [sflag:$0x1] =	stream.linear.gather [hbm4b:s4+s2], $0x80, $0x38;
	[tilespmem:$0x100] =	vst v63  }
0xe: {  	_ =	swait.ge [sflag:s3], $0x80  }
0xf: {  	v0 =	vimm.s32 $0xEFCDAB89;
	v1 =	vimm.s32 $0x67452301;
	v2 =	vimm.s32 $0xDCFE98BA;
	[sflag:s3] =	ssyncset.done $0x0  }
0x10: {  	v3 =	vimm.s32 $0x54761032;
	v0 =	vunpack.c.l.s4.s8 v0;
	v1 =	vunpack.c.l.s4.s8 v1;
	[sflag:s3] =	ssyncadd.s32 $0xFFFFFF80  }
0x11: {  	v2 =	vunpack.c.l.s4.s8 v2;
	v3 =	vunpack.c.l.s4.s8 v3;
	v7 =	vld [tilespmem:$0x0]  }
0x12: {  	v4 =	vimm.s32 $0xBA98FEDC;
	v0 =	vunpack.c.0.s8.s32 v0;
	v1 =	vunpack.c.0.s8.s32 v1;
	v8 =	vld [tilespmem:$0x10]  }
0x13: {  	v5 =	vimm.s32 $0x32107654;
	v2 =	vunpack.c.0.s8.s32 v2;
	v3 =	vunpack.c.0.s8.s32 v3  }
0x14: {  	v0 =	vcombine.low v1, v0;
	v1 =	vunpack.c.l.s4.s8 v4;
	v4 =	vunpack.c.l.s4.s8 v5  }
0x15: {  	v6 =	vimm.s32 $0xFEDCBA98;
	v2 =	vcombine.low v3, v2  }
0x16: {  	v0 =	vand.u32 $0xF, v0;
	v3 =	vunpack.c.0.s8.s32 v1;
	v4 =	vunpack.c.0.s8.s32 v4  }
0x17: {  	v1 =	vand.u32 $0xF, v2;
	v2 =	vperm.xlane v7, v0;
	v5 =	vperm.xlane v8, v0  }
0x18: {  	v6 =	vunpack.c.l.s4.s8 v6;
	v3 =	vcombine.low v4, v3  }
0x19: {  	v4 =	vimm.s32 $0x76543210;
	v9 =	vmax.f32 v7, v2;
	v5 =	vmax.f32 v8, v5  }
0x1a: {  	v4 =	vunpack.c.l.s4.s8 v4;
	v10 =	vperm.xlane v9, v1;
	v11 =	vperm.xlane v5, v1  }
0x1b: {  	v2 =	vand.u32 $0xF, v3;
	v3 =	vunpack.c.0.s8.s32 v6  }
0x1c: {  	v4 =	vunpack.c.0.s8.s32 v4;
	v6 =	vmax.f32 v9, v10;
	v5 =	vmax.f32 v5, v11  }
0x1d: {  	v3 =	vand.u32 $0xF, v3;
	v9 =	vperm.xlane v6, v2;
	v31 =	vperm.xlane v5, v2  }
0x1e: {  	v3 =	vcombine.low v3, v4  }
0x1f: {  	v4 =	vmax.f32 v6, v9;
	v5 =	vmax.f32 v5, v31  }
0x20: {  	v6 =	vperm.xlane v4, v3;
	v32 =	vperm.xlane v5, v3;
	_ =	sdelay $0x1  }
0x21: {  	v6 =	vmax.f32 v4, v6;
	v5 =	vmax.f32 v5, v32  }
0x22: {  	v4 =	vlaneseq.u32;
	v6 =	vmax.f32 v6, v5  }
0x23: {  	v5 =	vor.u32 $0x10, v4;
	vm0 =	veq.f32 v7, v6;
	vm1 =	veq.f32 v8, v6  }
0x24: {  	v6 =	vnsel vm0, $0x20, v4;
	v33 =	vnsel vm1, $0x20, v5  }
0x25: {  	v34 =	vperm.xlane v6, v0;
	v35 =	vperm.xlane v33, v0;
	_ =	sdelay $0x1  }
0x26: {  	vm0 =	vlt.s32 v6, v34;
	vm1 =	vlt.s32 v33, v35  }
0x27: {  	v6 =	vsel vm0, v6, v34;
	v9 =	vsel vm1, v33, v35  }
0x28: {  	v10 =	vperm.xlane v6, v1;
	v11 =	vperm.xlane v9, v1;
	_ =	sdelay $0x1  }
0x29: {  	vm0 =	vlt.s32 v6, v10;
	vm1 =	vlt.s32 v9, v11  }
0x2a: {  	v6 =	vsel vm0, v6, v10;
	v9 =	vsel vm1, v9, v11  }
0x2b: {  	v10 =	vperm.xlane v6, v2;
	v11 =	vperm.xlane v9, v2;
	_ =	sdelay $0x1  }
0x2c: {  	vm0 =	vlt.s32 v6, v10;
	vm1 =	vlt.s32 v9, v11  }
0x2d: {  	v6 =	vsel vm0, v6, v10;
	v9 =	vsel vm1, v9, v11  }
0x2e: {  	v10 =	vperm.xlane v6, v3;
	v11 =	vperm.xlane v9, v3;
	_ =	sdelay $0x1  }
0x2f: {  	vm0 =	vlt.s32 v6, v10;
	vm1 =	vlt.s32 v9, v11  }
0x30: {  	v6 =	vsel vm0, v6, v10;
	v9 =	vsel vm1, v9, v11  }
0x31: {  	vm0 =	vlt.s32 v6, v9  }
0x32: {  	v6 =	vsel vm0, v6, v9  }
0x33: {  	vm0 =	veq.s32 v6, v4;
	vm1 =	veq.s32 v6, v5  }
0x34: {  	v36 =	vsel vm0, $0xFF800000, v7;
	v8 =	vsel vm1, $0xFF800000, v8  }
0x35: {  	v7 =	vperm.xlane v36, v0;
	v37 =	vperm.xlane v8, v0;
	_ =	sdelay $0x1  }
0x36: {  	v7 =	vmax.f32 v36, v7;
	v10 =	vmax.f32 v8, v37  }
0x37: {  	v38 =	vperm.xlane v7, v1;
	v12 =	vperm.xlane v10, v1;
	_ =	sdelay $0x1  }
0x38: {  	v7 =	vmax.f32 v7, v38;
	v10 =	vmax.f32 v10, v12  }
0x39: {  	v11 =	vperm.xlane v7, v2;
	v12 =	vperm.xlane v10, v2;
	_ =	sdelay $0x1  }
0x3a: {  	v7 =	vmax.f32 v7, v11;
	v10 =	vmax.f32 v10, v12  }
0x3b: {  	v11 =	vperm.xlane v7, v3;
	v12 =	vperm.xlane v10, v3;
	_ =	sdelay $0x1  }
0x3c: {  	v7 =	vmax.f32 v7, v11;
	v10 =	vmax.f32 v10, v12  }
0x3d: {  	v7 =	vmax.f32 v7, v10  }
0x3e: {  	vm0 =	veq.f32 v36, v7;
	vm1 =	veq.f32 v8, v7  }
0x3f: {  	v7 =	vnsel vm0, $0x20, v4;
	v39 =	vnsel vm1, $0x20, v5  }
0x40: {  	v40 =	vperm.xlane v7, v0;
	v41 =	vperm.xlane v39, v0;
	_ =	sdelay $0x1  }
0x41: {  	vm0 =	vlt.s32 v7, v40;
	vm1 =	vlt.s32 v39, v41  }
0x42: {  	v7 =	vsel vm0, v7, v40;
	v10 =	vsel vm1, v39, v41  }
0x43: {  	v11 =	vperm.xlane v7, v1;
	v12 =	vperm.xlane v10, v1;
	_ =	sdelay $0x1  }
0x44: {  	vm0 =	vlt.s32 v7, v11;
	vm1 =	vlt.s32 v10, v12  }
0x45: {  	v7 =	vsel vm0, v7, v11;
	v10 =	vsel vm1, v10, v12  }
0x46: {  	v11 =	vperm.xlane v7, v2;
	v12 =	vperm.xlane v10, v2;
	_ =	sdelay $0x1  }
0x47: {  	vm0 =	vlt.s32 v7, v11;
	vm1 =	vlt.s32 v10, v12  }
0x48: {  	v7 =	vsel vm0, v7, v11;
	v10 =	vsel vm1, v10, v12  }
0x49: {  	v11 =	vperm.xlane v7, v3;
	v12 =	vperm.xlane v10, v3;
	_ =	sdelay $0x1  }
0x4a: {  	vm0 =	vlt.s32 v7, v11;
	vm1 =	vlt.s32 v10, v12  }
0x4b: {  	v7 =	vsel vm0, v7, v11;
	v10 =	vsel vm1, v10, v12  }
0x4c: {  	vm0 =	vlt.s32 v7, v10  }
0x4d: {  	v7 =	vsel vm0, v7, v10  }
0x4e: {  	vm0 =	veq.s32 v7, v4;
	vm1 =	veq.s32 v7, v5  }
0x4f: {  	v9 =	vsel vm0, $0xFF800000, v36;
	v8 =	vsel vm1, $0xFF800000, v8  }
0x50: {  	v42 =	vperm.xlane v9, v0;
	v43 =	vperm.xlane v8, v0;
	_ =	sdelay $0x1  }
0x51: {  	v10 =	vmax.f32 v9, v42;
	v11 =	vmax.f32 v8, v43  }
0x52: {  	v44 =	vperm.xlane v10, v1;
	v13 =	vperm.xlane v11, v1;
	_ =	sdelay $0x1  }
0x53: {  	v10 =	vmax.f32 v10, v44;
	v11 =	vmax.f32 v11, v13  }
0x54: {  	v12 =	vperm.xlane v10, v2;
	v13 =	vperm.xlane v11, v2;
	_ =	sdelay $0x1  }
0x55: {  	v10 =	vmax.f32 v10, v12;
	v11 =	vmax.f32 v11, v13  }
0x56: {  	v12 =	vperm.xlane v10, v3;
	v13 =	vperm.xlane v11, v3;
	_ =	sdelay $0x1  }
0x57: {  	v10 =	vmax.f32 v10, v12;
	v11 =	vmax.f32 v11, v13  }
0x58: {  	v10 =	vmax.f32 v10, v11  }
0x59: {  	vm0 =	veq.f32 v9, v10;
	vm1 =	veq.f32 v8, v10  }
0x5a: {  	v45 =	vnsel vm0, $0x20, v4;
	v46 =	vnsel vm1, $0x20, v5  }
0x5b: {  	v47 =	vperm.xlane v45, v0;
	v48 =	vperm.xlane v46, v0;
	_ =	sdelay $0x1  }
0x5c: {  	vm0 =	vlt.s32 v45, v47;
	vm1 =	vlt.s32 v46, v48  }
0x5d: {  	v10 =	vsel vm0, v45, v47;
	v11 =	vsel vm1, v46, v48  }
0x5e: {  	v12 =	vperm.xlane v10, v1;
	v13 =	vperm.xlane v11, v1;
	_ =	sdelay $0x1  }
0x5f: {  	vm0 =	vlt.s32 v10, v12;
	vm1 =	vlt.s32 v11, v13  }
0x60: {  	v10 =	vsel vm0, v10, v12;
	v11 =	vsel vm1, v11, v13  }
0x61: {  	v12 =	vperm.xlane v10, v2;
	v13 =	vperm.xlane v11, v2;
	_ =	sdelay $0x1  }
0x62: {  	vm0 =	vlt.s32 v10, v12;
	vm1 =	vlt.s32 v11, v13  }
0x63: {  	v10 =	vsel vm0, v10, v12;
	v11 =	vsel vm1, v11, v13  }
0x64: {  	v12 =	vperm.xlane v10, v3;
	v13 =	vperm.xlane v11, v3;
	_ =	sdelay $0x1  }
0x65: {  	vm0 =	vlt.s32 v10, v12;
	vm1 =	vlt.s32 v11, v13  }
0x66: {  	v10 =	vsel vm0, v10, v12;
	v11 =	vsel vm1, v11, v13  }
0x67: {  	vm0 =	vlt.s32 v10, v11  }
0x68: {  	v10 =	vsel vm0, v10, v11  }
0x69: {  	vm0 =	veq.s32 v10, v4;
	vm1 =	veq.s32 v10, v5  }
0x6a: {  	v9 =	vsel vm0, $0xFF800000, v9;
	v8 =	vsel vm1, $0xFF800000, v8  }
0x6b: {  	v49 =	vperm.xlane v9, v0;
	v50 =	vperm.xlane v8, v0;
	_ =	sdelay $0x1  }
0x6c: {  	v11 =	vmax.f32 v9, v49;
	v12 =	vmax.f32 v8, v50  }
0x6d: {  	v51 =	vperm.xlane v11, v1;
	v14 =	vperm.xlane v12, v1;
	_ =	sdelay $0x1  }
0x6e: {  	v11 =	vmax.f32 v11, v51;
	v12 =	vmax.f32 v12, v14  }
0x6f: {  	v13 =	vperm.xlane v11, v2;
	v14 =	vperm.xlane v12, v2;
	_ =	sdelay $0x1  }
0x70: {  	v11 =	vmax.f32 v11, v13;
	v12 =	vmax.f32 v12, v14  }
0x71: {  	v13 =	vperm.xlane v11, v3;
	v14 =	vperm.xlane v12, v3;
	_ =	sdelay $0x1  }
0x72: {  	v11 =	vmax.f32 v11, v13;
	v12 =	vmax.f32 v12, v14  }
0x73: {  	v11 =	vmax.f32 v11, v12  }
0x74: {  	vm0 =	veq.f32 v9, v11;
	vm1 =	veq.f32 v8, v11  }
0x75: {  	v52 =	vnsel vm0, $0x20, v4;
	v53 =	vnsel vm1, $0x20, v5  }
0x76: {  	v54 =	vperm.xlane v52, v0;
	v55 =	vperm.xlane v53, v0;
	_ =	sdelay $0x1  }
0x77: {  	vm0 =	vlt.s32 v52, v54;
	vm1 =	vlt.s32 v53, v55  }
0x78: {  	v11 =	vsel vm0, v52, v54;
	v12 =	vsel vm1, v53, v55  }
0x79: {  	v13 =	vperm.xlane v11, v1;
	v14 =	vperm.xlane v12, v1;
	_ =	sdelay $0x1  }
0x7a: {  	vm0 =	vlt.s32 v11, v13;
	vm1 =	vlt.s32 v12, v14  }
0x7b: {  	v11 =	vsel vm0, v11, v13;
	v12 =	vsel vm1, v12, v14  }
0x7c: {  	v13 =	vperm.xlane v11, v2;
	v14 =	vperm.xlane v12, v2;
	_ =	sdelay $0x1  }
0x7d: {  	vm0 =	vlt.s32 v11, v13;
	vm1 =	vlt.s32 v12, v14  }
0x7e: {  	v11 =	vsel vm0, v11, v13;
	v12 =	vsel vm1, v12, v14  }
0x7f: {  	v13 =	vperm.xlane v11, v3;
	v14 =	vperm.xlane v12, v3;
	_ =	sdelay $0x1  }
0x80: {  	vm0 =	vlt.s32 v11, v13;
	vm1 =	vlt.s32 v12, v14  }
0x81: {  	v11 =	vsel vm0, v11, v13;
	v12 =	vsel vm1, v12, v14  }
0x82: {  	vm0 =	vlt.s32 v11, v12  }
0x83: {  	v11 =	vsel vm0, v11, v12  }
0x84: {  	vm0 =	veq.s32 v11, v4;
	vm1 =	veq.s32 v11, v5  }
0x85: {  	v9 =	vsel vm0, $0xFF800000, v9;
	v8 =	vsel vm1, $0xFF800000, v8  }
0x86: {  	v56 =	vperm.xlane v9, v0;
	v57 =	vperm.xlane v8, v0;
	_ =	sdelay $0x1  }
0x87: {  	v12 =	vmax.f32 v9, v56;
	v13 =	vmax.f32 v8, v57  }
0x88: {  	v58 =	vperm.xlane v12, v1;
	v15 =	vperm.xlane v13, v1;
	_ =	sdelay $0x1  }
0x89: {  	v12 =	vmax.f32 v12, v58;
	v13 =	vmax.f32 v13, v15  }
0x8a: {  	v14 =	vperm.xlane v12, v2;
	v15 =	vperm.xlane v13, v2;
	_ =	sdelay $0x1  }
0x8b: {  	v12 =	vmax.f32 v12, v14;
	v13 =	vmax.f32 v13, v15  }
0x8c: {  	v14 =	vperm.xlane v12, v3;
	v15 =	vperm.xlane v13, v3;
	_ =	sdelay $0x1  }
0x8d: {  	v12 =	vmax.f32 v12, v14;
	v13 =	vmax.f32 v13, v15  }
0x8e: {  	v12 =	vmax.f32 v12, v13  }
0x8f: {  	vm0 =	veq.f32 v9, v12;
	vm1 =	veq.f32 v8, v12  }
0x90: {  	v59 =	vnsel vm0, $0x20, v4;
	v60 =	vnsel vm1, $0x20, v5  }
0x91: {  	v61 =	vperm.xlane v59, v0;
	v62 =	vperm.xlane v60, v0;
	_ =	sdelay $0x1  }
0x92: {  	vm0 =	vlt.s32 v59, v61;
	vm1 =	vlt.s32 v60, v62  }
0x93: {  	v8 =	vsel vm0, v59, v61;
	v9 =	vsel vm1, v60, v62  }
0x94: {  	v12 =	vperm.xlane v8, v1;
	v13 =	vperm.xlane v9, v1;
	_ =	sdelay $0x1  }
0x95: {  	vm0 =	vlt.s32 v8, v12;
	vm1 =	vlt.s32 v9, v13  }
0x96: {  	v8 =	vsel vm0, v8, v12;
	v9 =	vsel vm1, v9, v13  }
0x97: {  	v12 =	vperm.xlane v8, v2;
	v13 =	vperm.xlane v9, v2;
	_ =	sdelay $0x1  }
0x98: {  	vm0 =	vlt.s32 v8, v12;
	vm1 =	vlt.s32 v9, v13  }
0x99: {  	v8 =	vsel vm0, v8, v12;
	v9 =	vsel vm1, v9, v13  }
0x9a: {  	s7 =	ssub.s32 $0x2, s7;
	v12 =	vperm.xlane v8, v3;
	v13 =	vperm.xlane v9, v3  }
0x9b: {  	vm2 =	vcmask $0x714;
	s29 =	sshrl.u32 s7, $0x1;
	vm0 =	vmmov $0x1;
	vm1 =	vcmask $0x314  }
0x9c: {  	s31 =	ssub.s32 s7, s29;
	v6 =	vnsel vm0, $0x0, v6;
	vm3 =	vlt.s32 v8, v12;
	vm4 =	vlt.s32 v9, v13  }
0x9d: {  	s7 =	smax.u32 s31, $0x1;
	v6 =	vsel vm1, v6, v7;
	v7 =	vsel vm3, v8, v12;
	v63 =	vsel vm4, v9, v13  }
0x9e: {  	p0 =	sne.s32 s7, $0x1;
	v6 =	vsel vm2, v6, v10;
	vm3 =	vcmask $0xB14;
	vm5 =	vlt.s32 v7, v63  }
.Ltmp1:
0x9f: {  	vm4 =	vcmask $0xF14;
	v6 =	vsel vm3, v6, v11;
	v7 =	vsel vm5, v7, v63;
	(pc) =	sbr.rel @!p0 .LBB2_3-.Ltmp1, $4  }
0xa0: {  	s30 =	sadd.s32 s6, s5;
	v6 =	vsel vm4, v6, v7  }
0xa1: {  	s6 =	simm.s32 $0x80;
	s5 =	sadd.s32 $0xC00, s30;
	[tilespmem:$0x80] =	vst v6  }
0xa2: {  	[hbm4b:s5+s2] =	stream.linear.scatter [tilespmem:s6], [sflag:$0x1], $0x80, $0x38;
	[tilespmem:$0x100] =	vst v63  }
0xa3: {  	s7 =	sadd.s32 $0xFFFFFFFF, s7;
	_ =	swait.ge [sflag:s3], $0x80  }
.LBB2_2:
0xa4: {  	p0 =	sne.s32 s7, $0x1;
	s7 =	sadd.s32 $0xFFFFFFFF, s7;
	[sflag:s3] =	ssyncset.done $0x0  }
0xa5: {  	[sflag:s3] =	ssyncadd.s32 $0xFFFFFF80  }
0xa6: {  	[tilespmem:s2], [sflag:$0x1] =	stream.linear.gather [hbm4b:s4+s2], $0x80, $0x38;
	[tilespmem:$0x100] =	vst v63  }
0xa7: {  	_ =	swait.ge [sflag:s3], $0x80  }
0xa8: {  	[sflag:s3] =	ssyncset.done $0x0  }
0xa9: {  	[sflag:s3] =	ssyncadd.s32 $0xFFFFFF80  }
0xaa: {  	v7 =	vld [tilespmem:$0x0]  }
0xab: {  	v8 =	vld [tilespmem:$0x10];
	_ =	sdelay $0x3  }
0xac: {  	v6 =	vperm.xlane v7, v0  }
0xad: {  	v9 =	vperm.xlane v8, v0  }
0xae: {  	v6 =	vmax.f32 v7, v6  }
0xaf: {  	v10 =	vperm.xlane v6, v1;
	v9 =	vmax.f32 v8, v9  }
0xb0: {  	v11 =	vperm.xlane v9, v1  }
0xb1: {  	v6 =	vmax.f32 v6, v10  }
0xb2: {  	v10 =	vperm.xlane v6, v2;
	v9 =	vmax.f32 v9, v11  }
0xb3: {  	v11 =	vperm.xlane v9, v2  }
0xb4: {  	v6 =	vmax.f32 v6, v10  }
0xb5: {  	v10 =	vperm.xlane v6, v3;
	v9 =	vmax.f32 v9, v11  }
0xb6: {  	v11 =	vperm.xlane v9, v3  }
0xb7: {  	v6 =	vmax.f32 v6, v10  }
0xb8: {  	v9 =	vmax.f32 v9, v11  }
0xb9: {  	v6 =	vmax.f32 v6, v9  }
0xba: {  	vm5 =	veq.f32 v7, v6;
	vm6 =	veq.f32 v8, v6  }
0xbb: {  	v6 =	vnsel vm5, $0x20, v4;
	v9 =	vnsel vm6, $0x20, v5  }
0xbc: {  	v10 =	vperm.xlane v6, v0;
	v11 =	vperm.xlane v9, v0;
	_ =	sdelay $0x1  }
0xbd: {  	vm5 =	vlt.s32 v6, v10;
	vm6 =	vlt.s32 v9, v11  }
0xbe: {  	v6 =	vsel vm5, v6, v10;
	v9 =	vsel vm6, v9, v11  }
0xbf: {  	v10 =	vperm.xlane v6, v1;
	v11 =	vperm.xlane v9, v1;
	_ =	sdelay $0x1  }
0xc0: {  	vm5 =	vlt.s32 v6, v10;
	vm6 =	vlt.s32 v9, v11  }
0xc1: {  	v6 =	vsel vm5, v6, v10;
	v9 =	vsel vm6, v9, v11  }
0xc2: {  	v10 =	vperm.xlane v6, v2;
	v11 =	vperm.xlane v9, v2;
	_ =	sdelay $0x1  }
0xc3: {  	vm5 =	vlt.s32 v6, v10;
	vm6 =	vlt.s32 v9, v11  }
0xc4: {  	v6 =	vsel vm5, v6, v10;
	v9 =	vsel vm6, v9, v11  }
0xc5: {  	v10 =	vperm.xlane v6, v3;
	v11 =	vperm.xlane v9, v3;
	_ =	sdelay $0x1  }
0xc6: {  	vm5 =	vlt.s32 v6, v10;
	vm6 =	vlt.s32 v9, v11  }
0xc7: {  	v6 =	vsel vm5, v6, v10;
	v9 =	vsel vm6, v9, v11  }
0xc8: {  	vm5 =	vlt.s32 v6, v9  }
0xc9: {  	v6 =	vsel vm5, v6, v9  }
0xca: {  	vm5 =	veq.s32 v6, v4;
	vm6 =	veq.s32 v6, v5  }
0xcb: {  	v9 =	vsel vm5, $0xFF800000, v7;
	v8 =	vsel vm6, $0xFF800000, v8  }
0xcc: {  	v7 =	vperm.xlane v9, v0;
	v10 =	vperm.xlane v8, v0;
	_ =	sdelay $0x1  }
0xcd: {  	v7 =	vmax.f32 v9, v7;
	v10 =	vmax.f32 v8, v10  }
0xce: {  	v11 =	vperm.xlane v7, v1;
	v12 =	vperm.xlane v10, v1;
	_ =	sdelay $0x1  }
0xcf: {  	v7 =	vmax.f32 v7, v11;
	v10 =	vmax.f32 v10, v12  }
0xd0: {  	v11 =	vperm.xlane v7, v2;
	v12 =	vperm.xlane v10, v2;
	_ =	sdelay $0x1  }
0xd1: {  	v7 =	vmax.f32 v7, v11;
	v10 =	vmax.f32 v10, v12  }
0xd2: {  	v11 =	vperm.xlane v7, v3;
	v12 =	vperm.xlane v10, v3;
	_ =	sdelay $0x1  }
0xd3: {  	v7 =	vmax.f32 v7, v11;
	v10 =	vmax.f32 v10, v12  }
0xd4: {  	v7 =	vmax.f32 v7, v10  }
0xd5: {  	vm5 =	veq.f32 v9, v7;
	vm6 =	veq.f32 v8, v7  }
0xd6: {  	v7 =	vnsel vm5, $0x20, v4;
	v10 =	vnsel vm6, $0x20, v5  }
0xd7: {  	v11 =	vperm.xlane v7, v0;
	v12 =	vperm.xlane v10, v0;
	_ =	sdelay $0x1  }
0xd8: {  	vm5 =	vlt.s32 v7, v11;
	vm6 =	vlt.s32 v10, v12  }
0xd9: {  	v7 =	vsel vm5, v7, v11;
	v10 =	vsel vm6, v10, v12  }
0xda: {  	v11 =	vperm.xlane v7, v1;
	v12 =	vperm.xlane v10, v1;
	_ =	sdelay $0x1  }
0xdb: {  	vm5 =	vlt.s32 v7, v11;
	vm6 =	vlt.s32 v10, v12  }
0xdc: {  	v7 =	vsel vm5, v7, v11;
	v10 =	vsel vm6, v10, v12  }
0xdd: {  	v11 =	vperm.xlane v7, v2;
	v12 =	vperm.xlane v10, v2;
	_ =	sdelay $0x1  }
0xde: {  	vm5 =	vlt.s32 v7, v11;
	vm6 =	vlt.s32 v10, v12  }
0xdf: {  	v7 =	vsel vm5, v7, v11;
	v10 =	vsel vm6, v10, v12  }
0xe0: {  	v11 =	vperm.xlane v7, v3;
	v12 =	vperm.xlane v10, v3;
	_ =	sdelay $0x1  }
0xe1: {  	vm5 =	vlt.s32 v7, v11;
	vm6 =	vlt.s32 v10, v12  }
0xe2: {  	v7 =	vsel vm5, v7, v11;
	v10 =	vsel vm6, v10, v12  }
0xe3: {  	vm5 =	vlt.s32 v7, v10  }
0xe4: {  	v7 =	vsel vm5, v7, v10  }
0xe5: {  	vm5 =	veq.s32 v7, v4;
	vm6 =	veq.s32 v7, v5  }
0xe6: {  	v9 =	vsel vm5, $0xFF800000, v9;
	v10 =	vsel vm6, $0xFF800000, v8  }
0xe7: {  	v8 =	vperm.xlane v9, v0;
	v11 =	vperm.xlane v10, v0;
	_ =	sdelay $0x1  }
0xe8: {  	v8 =	vmax.f32 v9, v8;
	v11 =	vmax.f32 v10, v11  }
0xe9: {  	v12 =	vperm.xlane v8, v1;
	v13 =	vperm.xlane v11, v1;
	_ =	sdelay $0x1  }
0xea: {  	v8 =	vmax.f32 v8, v12;
	v11 =	vmax.f32 v11, v13  }
0xeb: {  	v12 =	vperm.xlane v8, v2;
	v13 =	vperm.xlane v11, v2;
	_ =	sdelay $0x1  }
0xec: {  	v8 =	vmax.f32 v8, v12;
	v11 =	vmax.f32 v11, v13  }
0xed: {  	v12 =	vperm.xlane v8, v3;
	v13 =	vperm.xlane v11, v3;
	_ =	sdelay $0x1  }
0xee: {  	v8 =	vmax.f32 v8, v12;
	v11 =	vmax.f32 v11, v13  }
0xef: {  	v8 =	vmax.f32 v8, v11  }
0xf0: {  	vm5 =	veq.f32 v9, v8;
	vm6 =	veq.f32 v10, v8  }
0xf1: {  	v8 =	vnsel vm5, $0x20, v4;
	v11 =	vnsel vm6, $0x20, v5  }
0xf2: {  	v12 =	vperm.xlane v8, v0;
	v13 =	vperm.xlane v11, v0;
	_ =	sdelay $0x1  }
0xf3: {  	vm5 =	vlt.s32 v8, v12;
	vm6 =	vlt.s32 v11, v13  }
0xf4: {  	v8 =	vsel vm5, v8, v12;
	v11 =	vsel vm6, v11, v13  }
0xf5: {  	v12 =	vperm.xlane v8, v1;
	v13 =	vperm.xlane v11, v1;
	_ =	sdelay $0x1  }
0xf6: {  	vm5 =	vlt.s32 v8, v12;
	vm6 =	vlt.s32 v11, v13  }
0xf7: {  	v8 =	vsel vm5, v8, v12;
	v11 =	vsel vm6, v11, v13  }
0xf8: {  	v12 =	vperm.xlane v8, v2;
	v13 =	vperm.xlane v11, v2;
	_ =	sdelay $0x1  }
0xf9: {  	vm5 =	vlt.s32 v8, v12;
	vm6 =	vlt.s32 v11, v13  }
0xfa: {  	v8 =	vsel vm5, v8, v12;
	v11 =	vsel vm6, v11, v13  }
0xfb: {  	v12 =	vperm.xlane v8, v3;
	v13 =	vperm.xlane v11, v3;
	_ =	sdelay $0x1  }
0xfc: {  	vm5 =	vlt.s32 v8, v12;
	vm6 =	vlt.s32 v11, v13  }
0xfd: {  	v8 =	vsel vm5, v8, v12;
	v11 =	vsel vm6, v11, v13  }
0xfe: {  	vm5 =	vlt.s32 v8, v11  }
0xff: {  	v8 =	vsel vm5, v8, v11  }
0x100: {  	vm5 =	veq.s32 v8, v4;
	vm6 =	veq.s32 v8, v5  }
0x101: {  	v9 =	vsel vm5, $0xFF800000, v9;
	v10 =	vsel vm6, $0xFF800000, v10  }
0x102: {  	v11 =	vperm.xlane v9, v0;
	v12 =	vperm.xlane v10, v0;
	_ =	sdelay $0x1  }
0x103: {  	v11 =	vmax.f32 v9, v11;
	v12 =	vmax.f32 v10, v12  }
0x104: {  	v13 =	vperm.xlane v11, v1;
	v14 =	vperm.xlane v12, v1;
	_ =	sdelay $0x1  }
0x105: {  	v11 =	vmax.f32 v11, v13;
	v12 =	vmax.f32 v12, v14  }
0x106: {  	v13 =	vperm.xlane v11, v2;
	v14 =	vperm.xlane v12, v2;
	_ =	sdelay $0x1  }
0x107: {  	v11 =	vmax.f32 v11, v13;
	v12 =	vmax.f32 v12, v14  }
0x108: {  	v13 =	vperm.xlane v11, v3;
	v14 =	vperm.xlane v12, v3;
	_ =	sdelay $0x1  }
0x109: {  	v11 =	vmax.f32 v11, v13;
	v12 =	vmax.f32 v12, v14  }
0x10a: {  	v11 =	vmax.f32 v11, v12  }
0x10b: {  	vm5 =	veq.f32 v9, v11;
	vm6 =	veq.f32 v10, v11  }
0x10c: {  	v11 =	vnsel vm5, $0x20, v4;
	v12 =	vnsel vm6, $0x20, v5  }
0x10d: {  	v13 =	vperm.xlane v11, v0;
	v14 =	vperm.xlane v12, v0;
	_ =	sdelay $0x1  }
0x10e: {  	vm5 =	vlt.s32 v11, v13;
	vm6 =	vlt.s32 v12, v14  }
0x10f: {  	v11 =	vsel vm5, v11, v13;
	v12 =	vsel vm6, v12, v14  }
0x110: {  	v13 =	vperm.xlane v11, v1;
	v14 =	vperm.xlane v12, v1;
	_ =	sdelay $0x1  }
0x111: {  	vm5 =	vlt.s32 v11, v13;
	vm6 =	vlt.s32 v12, v14  }
0x112: {  	v11 =	vsel vm5, v11, v13;
	v12 =	vsel vm6, v12, v14  }
0x113: {  	v13 =	vperm.xlane v11, v2;
	v14 =	vperm.xlane v12, v2;
	_ =	sdelay $0x1  }
0x114: {  	vm5 =	vlt.s32 v11, v13;
	vm6 =	vlt.s32 v12, v14  }
0x115: {  	v11 =	vsel vm5, v11, v13;
	v12 =	vsel vm6, v12, v14  }
0x116: {  	v13 =	vperm.xlane v11, v3;
	v14 =	vperm.xlane v12, v3;
	_ =	sdelay $0x1  }
0x117: {  	vm5 =	vlt.s32 v11, v13;
	vm6 =	vlt.s32 v12, v14  }
0x118: {  	v11 =	vsel vm5, v11, v13;
	v12 =	vsel vm6, v12, v14  }
0x119: {  	vm5 =	vlt.s32 v11, v12  }
0x11a: {  	v11 =	vsel vm5, v11, v12  }
0x11b: {  	vm5 =	veq.s32 v11, v4;
	vm6 =	veq.s32 v11, v5  }
0x11c: {  	v9 =	vsel vm5, $0xFF800000, v9;
	v10 =	vsel vm6, $0xFF800000, v10  }
0x11d: {  	v12 =	vperm.xlane v9, v0;
	v13 =	vperm.xlane v10, v0;
	_ =	sdelay $0x1  }
0x11e: {  	v12 =	vmax.f32 v9, v12;
	v13 =	vmax.f32 v10, v13  }
0x11f: {  	v14 =	vperm.xlane v12, v1;
	v15 =	vperm.xlane v13, v1;
	_ =	sdelay $0x1  }
0x120: {  	v12 =	vmax.f32 v12, v14;
	v13 =	vmax.f32 v13, v15  }
0x121: {  	v14 =	vperm.xlane v12, v2;
	v15 =	vperm.xlane v13, v2;
	_ =	sdelay $0x1  }
0x122: {  	v12 =	vmax.f32 v12, v14;
	v13 =	vmax.f32 v13, v15  }
0x123: {  	v14 =	vperm.xlane v12, v3;
	v15 =	vperm.xlane v13, v3;
	_ =	sdelay $0x1  }
0x124: {  	v12 =	vmax.f32 v12, v14;
	v13 =	vmax.f32 v13, v15  }
0x125: {  	v12 =	vmax.f32 v12, v13  }
0x126: {  	vm5 =	veq.f32 v9, v12;
	vm6 =	veq.f32 v10, v12  }
0x127: {  	v9 =	vnsel vm5, $0x20, v4;
	v10 =	vnsel vm6, $0x20, v5  }
0x128: {  	v12 =	vperm.xlane v9, v0;
	v13 =	vperm.xlane v10, v0;
	_ =	sdelay $0x1  }
0x129: {  	vm5 =	vlt.s32 v9, v12;
	vm6 =	vlt.s32 v10, v13  }
0x12a: {  	v9 =	vsel vm5, v9, v12;
	v10 =	vsel vm6, v10, v13  }
0x12b: {  	v12 =	vperm.xlane v9, v1;
	v13 =	vperm.xlane v10, v1;
	_ =	sdelay $0x1  }
0x12c: {  	vm5 =	vlt.s32 v9, v12;
	vm6 =	vlt.s32 v10, v13  }
0x12d: {  	v9 =	vsel vm5, v9, v12;
	v10 =	vsel vm6, v10, v13  }
0x12e: {  	v12 =	vperm.xlane v9, v2;
	v13 =	vperm.xlane v10, v2;
	_ =	sdelay $0x1  }
0x12f: {  	vm5 =	vlt.s32 v9, v12;
	vm6 =	vlt.s32 v10, v13  }
0x130: {  	v9 =	vsel vm5, v9, v12;
	v10 =	vsel vm6, v10, v13  }
0x131: {  	v12 =	vperm.xlane v9, v3;
	v13 =	vperm.xlane v10, v3  }
0x132: {  	v6 =	vnsel vm0, $0x0, v6  }
0x133: {  	v6 =	vsel vm1, v6, v7;
	vm5 =	vlt.s32 v9, v12;
	vm6 =	vlt.s32 v10, v13  }
0x134: {  	v6 =	vsel vm2, v6, v8;
	v7 =	vsel vm5, v9, v12;
	v8 =	vsel vm6, v10, v13  }
0x135: {  	v6 =	vsel vm3, v6, v11;
	vm5 =	vlt.s32 v7, v8  }
.Ltmp2:
0x136: {  	v7 =	vsel vm5, v7, v8;
	(pc) =	sbr.rel @p0 .LBB2_2-.Ltmp2, $4  }
0x137: {  	v6 =	vsel vm4, v6, v7  }
0x138: {  	[tilespmem:$0x80] =	vst v6  }
0x139: {  	[hbm4b:s5+s2] =	stream.linear.scatter [tilespmem:s6], [sflag:$0x1], $0x80, $0x38;
	[tilespmem:$0x100] =	vst v63  }
0x13a: {  	_ =	swait.ge [sflag:s3], $0x80  }
.LBB2_3:
0x13b: {  	[sflag:s3] =	ssyncset.done $0x0  }
0x13c: {  	[sflag:s3] =	ssyncadd.s32 $0xFFFFFF80  }
.LBB2_4:
0x13d: {  	_ =	sfence.sel $0x180000  }
0x13e: {  	[bflag:$0x0] =	sbarrier.arrive $0xFFFF  }
0x13f: {  	p0 =	sne.s32 s1, $0x0;
	_ =	strace $0x90000047  }
0x140: {  	s0 =	sadd.s32 @!p0 $0x100000, s0;
	[bflag:$0x2] =	sbarrier.arrive $0xFFFF  }
0x141: {  	[sflag:s0] =	ssyncadd.tile.s32 @!p0 $0x1;
	_ =	shalt  }
.Lfunc_end2:
_tile_overlayer_lowered:
.L_overlay_start_2:
0x142: {  	(tag) =	ssettag $0x2  }
0x143: {  	s0 =	rddreg [dreg:$0x0];
	s2 =	stileid.u32  }
0x144: {  	s1 =	rddreg [dreg:$0x1];
	p0 =	sne.s32 s2, $0x0  }
0x145: {  	s3 =	rddreg [dreg:$0x2];
	[bflag:$0x3] =	sbarrier.arrive $0xFFFF;
	s2 =	simm.s32 @!p0 $0x1C01  }
0x146: {  	[timem:s3], [sflag:s2] =	dma.local @!p0 [hbm:s0], s1  }
0x147: {  	s0 =	simm.s32 @!p0 $0x1  }
0x148: {  	_ =	swait.ge @!p0 [sflag:s0], s1  }
0x149: {  	s1 =	ssub.s32 @!p0 $0x0, s1;
	[sflag:s0] =	ssyncset.done @!p0 $0x0  }
0x14a: {  	[sflag:s0] =	ssyncadd.s32 @!p0 s1  }
0x14b: {  	[bflag:$0x3] =	sbarrier.arrive $0xFFFF  }
0x14c: {  	_ =	shalt  }

</sc_bundles>
